<compile_context>
chip_gen: v7x
topology: tpu7x:2x2x1
jax: 0.10.2.dev20260603
libtpu: 0.0.44.dev20260713+nightly
codegen_flags: <defaults>
</compile_context>

<pallas_src>
import jax
import jax.numpy as jnp
from jax import lax
from jax.experimental import pallas as pl
from jax.experimental.pallas import tpu as pltpu
from jax.experimental.pallas import tpu_sc as plsc

D = 2048
B = 32768
L = 16
NC, NS = 2, 16
NW = NC * NS
ROWS_PER_W = B // NW
CHUNK = 4
NCHUNK = ROWS_PER_W // CHUNK
GROUPS = D // L
NBUF = 4


def _rotor_body(x_hbm, perm_hbm, pos_hbm, out_hbm,
                perm_v, cp_v, pos_v, *bufs_and_sems):
    in_bufs = bufs_and_sems[0:NBUF]
    out_bufs = bufs_and_sems[NBUF:2 * NBUF]
    in_sems = bufs_and_sems[2 * NBUF:3 * NBUF]
    out_sems = bufs_and_sems[3 * NBUF:4 * NBUF]
    wid = lax.axis_index("s") * NC + lax.axis_index("c")
    base_row = wid * ROWS_PER_W

    def in_slice(c):
        return x_hbm.at[pl.ds(base_row + c * CHUNK, CHUNK)]

    def out_slice(c):
        return out_hbm.at[pl.ds(base_row + c * CHUNK, CHUNK)]

    for b in range(NBUF):
        pltpu.async_copy(in_slice(b), in_bufs[b], in_sems[b])

    pltpu.sync_copy(perm_hbm, perm_v)
    pltpu.sync_copy(pos_hbm, pos_v)
    posv = pos_v[...]
    iota = lax.iota(jnp.int32, L)

    @pl.loop(0, GROUPS)
    def _build(k):
        idx = (iota + (k * L)) + posv
        m = jnp.bitwise_and(idx, D - 1)
        cp_v[pl.ds(k * L, L)] = plsc.load_gather(perm_v, [m])

    def compute(b):
        src = in_bufs[b]
        dst = out_bufs[b]

        @plsc.parallel_loop(0, GROUPS, unroll=4)
        def _cols(k):
            cp16 = cp_v[pl.ds(k * L, L)]
            for r in range(CHUNK):
                rvec = jnp.full((L,), r, jnp.int32)
                dst[r, pl.ds(k * L, L)] = plsc.load_gather(src, [rvec, cp16])

    @pl.loop(0, NCHUNK // NBUF)
    def _rounds(p):
        for b in range(NBUF):
            c = p * NBUF + b
            pltpu.make_async_copy(in_slice(c), in_bufs[b], in_sems[b]).wait()

            @pl.when(p >= 1)
            def _drain_prev():
                pltpu.make_async_copy(
                    out_bufs[b], out_slice(c - NBUF), out_sems[b]).wait()

            compute(b)
            pltpu.async_copy(out_bufs[b], out_slice(c), out_sems[b])

            @pl.when(c + NBUF < NCHUNK)
            def _fetch_next():
                pltpu.async_copy(in_slice(c + NBUF), in_bufs[b], in_sems[b])

    for c in range((NCHUNK // NBUF) * NBUF, NCHUNK):
        b = c % NBUF
        pltpu.make_async_copy(in_slice(c), in_bufs[b], in_sems[b]).wait()
        pltpu.make_async_copy(
            out_bufs[b], out_slice(c - NBUF), out_sems[b]).wait()
        compute(b)
        pltpu.async_copy(out_bufs[b], out_slice(c), out_sems[b])

    for c in range(NCHUNK - NBUF, NCHUNK):
        b = c % NBUF
        pltpu.make_async_copy(out_bufs[b], out_slice(c), out_sems[b]).wait()


def kernel(x, permutation, position):
    pos16 = jnp.broadcast_to(position.astype(jnp.int32), (L,))
    mesh = plsc.VectorSubcoreMesh(core_axis_name="c", subcore_axis_name="s",
                                  num_cores=NC, num_subcores=NS)
    run = pl.kernel(
        _rotor_body,
        out_type=jax.ShapeDtypeStruct((B, D), jnp.float32),
        mesh=mesh,
        scratch_types=(
            [pltpu.VMEM((D,), jnp.int32),
             pltpu.VMEM((D,), jnp.int32),
             pltpu.VMEM((L,), jnp.int32)]
            + [pltpu.VMEM((CHUNK, D), jnp.float32)] * (2 * NBUF)
            + [pltpu.SemaphoreType.DMA] * (2 * NBUF)
        ),
        compiler_params=pltpu.CompilerParams(needs_layout_passes=False),
    )
    return run(x, permutation.astype(jnp.int32), pos16)

# --- scband reference (transcript-rebuilt; emitter-appended) ---
"""Pipeline reference for scband-rotor-25443386261680 (READ-ONLY COPY).

The authoritative reference and input builder live on the scoring server;
editing this copy changes nothing except your own understanding.
"""

import jax, jax.numpy as jnp
import numpy as np


def setup_inputs(seed: int = 0) -> dict:
    key = jax.random.key(seed)
    k1, k2 = jax.random.split(key)
    d = 2048
    B = 32768
    x = jax.random.normal(k1, (B, d), dtype=jnp.float32)
    # buffer: base permutation (torch.randperm equivalent)
    permutation = jax.random.permutation(k2, d).astype(jnp.int32)
    # buffer: rotor position, initialized to 0
    position = jnp.array(0, dtype=jnp.int32)
    return {"x": x, "permutation": permutation, "position": position}


def reference(x, permutation, position):
    # Faithful translation of Rotor.forward:
    # current_perm = cached_forward_perms[position] = shift(permutation, position)
    d = permutation.shape[0]
    indices = (jnp.arange(d, dtype=jnp.int32) + position) % d
    current_perm = permutation[indices]
    # gather columns: x[:, current_perm]
    return jnp.take(x, current_perm, axis=1)

if __name__ == "__main__":
    import jax
    _d = setup_inputs()
    print(jax.jit(kernel)(*tuple(_d.values())))

</pallas_src>

<mosaic_0001>
#map = affine_map<(d0, d1) -> (0, 0)>
#map1 = affine_map<(d0, d1) -> (0)>
module attributes {stable_mosaic.version = 14 : i64} {
  func.func @_rotor_body(%arg0: i32, %arg1: i32, %arg2: memref<32768x2048xf32, #tpu.memory_space<hbm>>, %arg3: memref<2048xi32, #tpu.memory_space<hbm>>, %arg4: memref<16xi32, #tpu.memory_space<hbm>>, %arg5: memref<32768x2048xf32, #tpu.memory_space<hbm>>, %arg6: memref<2048xi32, #tpu.memory_space<vmem>>, %arg7: memref<2048xi32, #tpu.memory_space<vmem>>, %arg8: memref<16xi32, #tpu.memory_space<vmem>>, %arg9: memref<4x2048xf32, #tpu.memory_space<vmem>>, %arg10: memref<4x2048xf32, #tpu.memory_space<vmem>>, %arg11: memref<4x2048xf32, #tpu.memory_space<vmem>>, %arg12: memref<4x2048xf32, #tpu.memory_space<vmem>>, %arg13: memref<4x2048xf32, #tpu.memory_space<vmem>>, %arg14: memref<4x2048xf32, #tpu.memory_space<vmem>>, %arg15: memref<4x2048xf32, #tpu.memory_space<vmem>>, %arg16: memref<4x2048xf32, #tpu.memory_space<vmem>>, %arg17: memref<!tpu.dma_semaphore, #tpu.memory_space<semaphore_mem>>, %arg18: memref<!tpu.dma_semaphore, #tpu.memory_space<semaphore_mem>>, %arg19: memref<!tpu.dma_semaphore, #tpu.memory_space<semaphore_mem>>, %arg20: memref<!tpu.dma_semaphore, #tpu.memory_space<semaphore_mem>>, %arg21: memref<!tpu.dma_semaphore, #tpu.memory_space<semaphore_mem>>, %arg22: memref<!tpu.dma_semaphore, #tpu.memory_space<semaphore_mem>>, %arg23: memref<!tpu.dma_semaphore, #tpu.memory_space<semaphore_mem>>, %arg24: memref<!tpu.dma_semaphore, #tpu.memory_space<semaphore_mem>>) attributes {dimension_semantics = [#tpu.dimension_semantics<core_parallel>, #tpu.dimension_semantics<subcore_parallel>], iteration_bounds = array<i64: 2, 16>, scalar_prefetch = 0 : i64, scratch_operands = 19 : i64, tpu.core_type = #tpu.core_type<sc_vector_subcore>, window_params = [{transform_indices = #map}, {transform_indices = #map1}, {transform_indices = #map1}, {transform_indices = #map}]} {
    %mul3A = arith.constant 2 : i32
    %mul3A_0 = arith.muli %arg1, %mul3A : i32
    %add3A = arith.addi %mul3A_0, %arg0 : i32
    %mul3A_1 = arith.constant 1024 : i32
    %mul3A_2 = arith.muli %add3A, %mul3A_1 : i32
    %add3A_3 = arith.constant 0 : i32
    %add3A_4 = arith.addi %mul3A_2, %add3A_3 : i32
    %dma_start3A = arith.constant 0 : i32
    %dma_start3A_5 = tpu.memref_slice %arg2[%add3A_4, %dma_start3A] : memref<32768x2048xf32, #tpu.memory_space<hbm>> -> memref<4x2048xf32, #tpu.memory_space<hbm>>
    %dma_start3A_6 = arith.constant 0 : i32
    %dma_start3A_7 = tpu.memref_slice %arg2[%add3A_4, %dma_start3A_6] : memref<32768x2048xf32, #tpu.memory_space<hbm>> -> memref<4x2048xf32, #tpu.memory_space<hbm>>
    tpu.enqueue_dma source(%dma_start3A_7 : memref<4x2048xf32, #tpu.memory_space<hbm>>) target(%arg9 : memref<4x2048xf32, #tpu.memory_space<vmem>>) target_semaphore(%arg17 : memref<!tpu.dma_semaphore, #tpu.memory_space<semaphore_mem>>)
    %add3A_8 = arith.constant 4 : i32
    %add3A_9 = arith.addi %mul3A_2, %add3A_8 : i32
    %dma_start3A_10 = arith.constant 0 : i32
    %dma_start3A_11 = tpu.memref_slice %arg2[%add3A_9, %dma_start3A_10] : memref<32768x2048xf32, #tpu.memory_space<hbm>> -> memref<4x2048xf32, #tpu.memory_space<hbm>>
    %dma_start3A_12 = arith.constant 0 : i32
    %dma_start3A_13 = tpu.memref_slice %arg2[%add3A_9, %dma_start3A_12] : memref<32768x2048xf32, #tpu.memory_space<hbm>> -> memref<4x2048xf32, #tpu.memory_space<hbm>>
    tpu.enqueue_dma source(%dma_start3A_13 : memref<4x2048xf32, #tpu.memory_space<hbm>>) target(%arg10 : memref<4x2048xf32, #tpu.memory_space<vmem>>) target_semaphore(%arg18 : memref<!tpu.dma_semaphore, #tpu.memory_space<semaphore_mem>>)
    %add3A_14 = arith.constant 8 : i32
    %add3A_15 = arith.addi %mul3A_2, %add3A_14 : i32
    %dma_start3A_16 = arith.constant 0 : i32
    %dma_start3A_17 = tpu.memref_slice %arg2[%add3A_15, %dma_start3A_16] : memref<32768x2048xf32, #tpu.memory_space<hbm>> -> memref<4x2048xf32, #tpu.memory_space<hbm>>
    %dma_start3A_18 = arith.constant 0 : i32
    %dma_start3A_19 = tpu.memref_slice %arg2[%add3A_15, %dma_start3A_18] : memref<32768x2048xf32, #tpu.memory_space<hbm>> -> memref<4x2048xf32, #tpu.memory_space<hbm>>
    tpu.enqueue_dma source(%dma_start3A_19 : memref<4x2048xf32, #tpu.memory_space<hbm>>) target(%arg11 : memref<4x2048xf32, #tpu.memory_space<vmem>>) target_semaphore(%arg19 : memref<!tpu.dma_semaphore, #tpu.memory_space<semaphore_mem>>)
    %add3A_20 = arith.constant 12 : i32
    %add3A_21 = arith.addi %mul3A_2, %add3A_20 : i32
    %dma_start3A_22 = arith.constant 0 : i32
    %dma_start3A_23 = tpu.memref_slice %arg2[%add3A_21, %dma_start3A_22] : memref<32768x2048xf32, #tpu.memory_space<hbm>> -> memref<4x2048xf32, #tpu.memory_space<hbm>>
    %dma_start3A_24 = arith.constant 0 : i32
    %dma_start3A_25 = tpu.memref_slice %arg2[%add3A_21, %dma_start3A_24] : memref<32768x2048xf32, #tpu.memory_space<hbm>> -> memref<4x2048xf32, #tpu.memory_space<hbm>>
    tpu.enqueue_dma source(%dma_start3A_25 : memref<4x2048xf32, #tpu.memory_space<hbm>>) target(%arg12 : memref<4x2048xf32, #tpu.memory_space<vmem>>) target_semaphore(%arg20 : memref<!tpu.dma_semaphore, #tpu.memory_space<semaphore_mem>>)
    "tpu.region"() ({
      %run_scoped3A = tpu.sem_alloc : memref<!tpu.dma_semaphore, #tpu.memory_space<semaphore_mem>>
      tpu.enqueue_dma source(%arg3 : memref<2048xi32, #tpu.memory_space<hbm>>) target(%arg6 : memref<2048xi32, #tpu.memory_space<vmem>>) target_semaphore(%run_scoped3A : memref<!tpu.dma_semaphore, #tpu.memory_space<semaphore_mem>>)
      tpu.wait_dma2 semaphore(%run_scoped3A : memref<!tpu.dma_semaphore, #tpu.memory_space<semaphore_mem>>) src(%arg3 : memref<2048xi32, #tpu.memory_space<hbm>>) dst(%arg6 : memref<2048xi32, #tpu.memory_space<vmem>>)
      tpu.yield
    }) : () -> ()
    "tpu.region"() ({
      %run_scoped3A = tpu.sem_alloc : memref<!tpu.dma_semaphore, #tpu.memory_space<semaphore_mem>>
      tpu.enqueue_dma source(%arg4 : memref<16xi32, #tpu.memory_space<hbm>>) target(%arg8 : memref<16xi32, #tpu.memory_space<vmem>>) target_semaphore(%run_scoped3A : memref<!tpu.dma_semaphore, #tpu.memory_space<semaphore_mem>>)
      tpu.wait_dma2 semaphore(%run_scoped3A : memref<!tpu.dma_semaphore, #tpu.memory_space<semaphore_mem>>) src(%arg4 : memref<16xi32, #tpu.memory_space<hbm>>) dst(%arg8 : memref<16xi32, #tpu.memory_space<vmem>>)
      tpu.yield
    }) : () -> ()
    %get3A = arith.constant 0 : index
    %get3A_26 = tpu.vector_load %arg8[%get3A] {strides = array<i32>} : memref<16xi32, #tpu.memory_space<vmem>>, vector<16xi32>,
    %iota3A = tpu.iota {dimensions = array<i32: 0>} : vector<16xi32>
    %scan3A = arith.constant 0 : i32
    %scan3A_27 = arith.constant 128 : i32
    %scan3A_28 = arith.addi %scan3A, %scan3A_27 : i32
    %scan3A_29 = arith.constant 1 : i32
    scf.for %scan3A_59 = %scan3A to %scan3A_28 step %scan3A_29  : i32 {
      %mul3A_60 = arith.constant 1 : i32
      %mul3A_61 = arith.muli %scan3A_59, %mul3A_60 : i32
      %add3A_62 = arith.constant 0 : i32
      %add3A_63 = arith.addi %add3A_62, %mul3A_61 : i32
      %mul3A_64 = arith.constant 16 : i32
      %mul3A_65 = arith.muli %add3A_63, %mul3A_64 : i32
      %add3A_66 = vector.broadcast %mul3A_65 : i32 to vector<16xi32>
      %add3A_67 = arith.addi %iota3A, %add3A_66 : vector<16xi32>
      %add3A_68 = arith.addi %add3A_67, %get3A_26 : vector<16xi32>
      %and3A = arith.constant 2047 : i32
      %and3A_69 = vector.broadcast %and3A : i32 to vector<16xi32>
      %and3A_70 = arith.andi %add3A_68, %and3A_69 : vector<16xi32>
      %gather3A = tpu.vector_load_idx %arg6[%and3A_70] : memref<2048xi32, #tpu.memory_space<vmem>>[vector<16xi32>], vector<16xi32>,
      %mul3A_71 = arith.constant 16 : i32
      %mul3A_72 = arith.muli %add3A_63, %mul3A_71 : i32
      %swap3A = arith.index_cast %mul3A_72 : i32 to index
      %swap3A_73 = tpu.vector_load %arg7[%swap3A] {strides = array<i32>} : memref<2048xi32, #tpu.memory_space<vmem>>, vector<16xi32>,
      tpu.vector_store %arg7[%swap3A], %gather3A {strides = array<i32>} : memref<2048xi32, #tpu.memory_space<vmem>>, vector<16xi32>,
    }
    %scan3A_30 = arith.constant 128 : i32
    %scan3A_31 = arith.constant 0 : i32
    %scan3A_32 = arith.constant 64 : i32
    %scan3A_33 = arith.addi %scan3A_31, %scan3A_32 : i32
    %scan3A_34 = arith.constant 1 : i32
    scf.for %scan3A_59 = %scan3A_31 to %scan3A_33 step %scan3A_34  : i32 {
      %mul3A_60 = arith.constant 1 : i32
      %mul3A_61 = arith.muli %scan3A_59, %mul3A_60 : i32
      %add3A_62 = arith.constant 0 : i32
      %add3A_63 = arith.addi %add3A_62, %mul3A_61 : i32
      %mul3A_64 = arith.constant 4 : i32
      %mul3A_65 = arith.muli %add3A_63, %mul3A_64 : i32
      %add3A_66 = arith.constant 0 : i32
      %add3A_67 = arith.addi %mul3A_65, %add3A_66 : i32
      %mul3A_68 = arith.constant 4 : i32
      %mul3A_69 = arith.muli %add3A_67, %mul3A_68 : i32
      %add3A_70 = arith.addi %mul3A_2, %mul3A_69 : i32
      %dma_wait3A_71 = arith.constant 0 : i32
      %dma_wait3A_72 = tpu.memref_slice %arg2[%add3A_70, %dma_wait3A_71] : memref<32768x2048xf32, #tpu.memory_space<hbm>> -> memref<4x2048xf32, #tpu.memory_space<hbm>>
      %dma_wait3A_73 = arith.constant 0 : i32
      %dma_wait3A_74 = tpu.memref_slice %arg2[%add3A_70, %dma_wait3A_73] : memref<32768x2048xf32, #tpu.memory_space<hbm>> -> memref<4x2048xf32, #tpu.memory_space<hbm>>
      tpu.wait_dma2 semaphore(%arg17 : memref<!tpu.dma_semaphore, #tpu.memory_space<semaphore_mem>>) src(%dma_wait3A_74 : memref<4x2048xf32, #tpu.memory_space<hbm>>) dst(%arg9 : memref<4x2048xf32, #tpu.memory_space<vmem>>)
      %ge3A = arith.constant 1 : i32
      %ge3A_75 = arith.cmpi sge, %add3A_63, %ge3A : i32
      %convert_element_type3A = arith.extui %ge3A_75 : i1 to i32
      %cond3A = arith.constant 0 : i32
      %cond3A_76 = arith.cmpi ne, %convert_element_type3A, %cond3A : i32
      scf.if %cond3A_76 {
        %sub3A = arith.constant 4 : i32
        %sub3A_191 = arith.subi %add3A_67, %sub3A : i32
        %mul3A_192 = arith.constant 4 : i32
        %mul3A_193 = arith.muli %sub3A_191, %mul3A_192 : i32
        %add3A_194 = arith.addi %mul3A_2, %mul3A_193 : i32
        %dma_wait3A_195 = arith.constant 0 : i32
        %dma_wait3A_196 = tpu.memref_slice %arg5[%add3A_194, %dma_wait3A_195] : memref<32768x2048xf32, #tpu.memory_space<hbm>> -> memref<4x2048xf32, #tpu.memory_space<hbm>>
        %dma_wait3A_197 = arith.constant 0 : i32
        %dma_wait3A_198 = tpu.memref_slice %arg5[%add3A_194, %dma_wait3A_197] : memref<32768x2048xf32, #tpu.memory_space<hbm>> -> memref<4x2048xf32, #tpu.memory_space<hbm>>
        tpu.wait_dma2 semaphore(%arg21 : memref<!tpu.dma_semaphore, #tpu.memory_space<semaphore_mem>>) src(%arg13 : memref<4x2048xf32, #tpu.memory_space<vmem>>) dst(%dma_wait3A_198 : memref<4x2048xf32, #tpu.memory_space<hbm>>)
      } else {
      }
      %parallel_loop3A = arith.constant 0 : i32
      %parallel_loop3A_77 = arith.constant 128 : i32
      %parallel_loop3A_78 = arith.constant 1 : i32
      scf.for %parallel_loop3A_191 = %parallel_loop3A to %parallel_loop3A_77 step %parallel_loop3A_78  : i32 {
        %parallel_loop3A_192 = arith.constant 16 : i32
        %parallel_loop3A_193 = arith.muli %parallel_loop3A_191, %parallel_loop3A_192 : i32
        %parallel_loop3A_194 = arith.index_cast %parallel_loop3A_193 : i32 to index
        %parallel_loop3A_195 = tpu.vector_load %arg7[%parallel_loop3A_194] {strides = array<i32>} : memref<2048xi32, #tpu.memory_space<vmem>>, vector<16xi32>,
        %parallel_loop3A_196 = arith.constant 0 : i32
        %parallel_loop3A_197 = vector.broadcast %parallel_loop3A_196 : i32 to vector<16xi32>
        %parallel_loop3A_198 = tpu.vector_load_idx %arg9[%parallel_loop3A_197, %parallel_loop3A_195] : memref<4x2048xf32, #tpu.memory_space<vmem>>[vector<16xi32>, vector<16xi32>], vector<16xf32>,
        %parallel_loop3A_199 = arith.constant 16 : i32
        %parallel_loop3A_200 = arith.muli %parallel_loop3A_191, %parallel_loop3A_199 : i32
        %parallel_loop3A_201 = arith.constant 0 : i32
        %parallel_loop3A_202 = arith.index_cast %parallel_loop3A_201 : i32 to index
        %parallel_loop3A_203 = arith.index_cast %parallel_loop3A_200 : i32 to index
        %parallel_loop3A_204 = tpu.vector_load %arg13[%parallel_loop3A_202, %parallel_loop3A_203] {strides = array<i32>} : memref<4x2048xf32, #tpu.memory_space<vmem>>, vector<16xf32>,
        tpu.vector_store %arg13[%parallel_loop3A_202, %parallel_loop3A_203], %parallel_loop3A_198 {strides = array<i32>} : memref<4x2048xf32, #tpu.memory_space<vmem>>, vector<16xf32>,
        %parallel_loop3A_205 = arith.constant 1 : i32
        %parallel_loop3A_206 = vector.broadcast %parallel_loop3A_205 : i32 to vector<16xi32>
        %parallel_loop3A_207 = tpu.vector_load_idx %arg9[%parallel_loop3A_206, %parallel_loop3A_195] : memref<4x2048xf32, #tpu.memory_space<vmem>>[vector<16xi32>, vector<16xi32>], vector<16xf32>,
        %parallel_loop3A_208 = arith.constant 16 : i32
        %parallel_loop3A_209 = arith.muli %parallel_loop3A_191, %parallel_loop3A_208 : i32
        %parallel_loop3A_210 = arith.constant 1 : i32
        %parallel_loop3A_211 = arith.index_cast %parallel_loop3A_210 : i32 to index
        %parallel_loop3A_212 = arith.index_cast %parallel_loop3A_209 : i32 to index
        %parallel_loop3A_213 = tpu.vector_load %arg13[%parallel_loop3A_211, %parallel_loop3A_212] {strides = array<i32>} : memref<4x2048xf32, #tpu.memory_space<vmem>>, vector<16xf32>,
        tpu.vector_store %arg13[%parallel_loop3A_211, %parallel_loop3A_212], %parallel_loop3A_207 {strides = array<i32>} : memref<4x2048xf32, #tpu.memory_space<vmem>>, vector<16xf32>,
        %parallel_loop3A_214 = arith.constant 2 : i32
        %parallel_loop3A_215 = vector.broadcast %parallel_loop3A_214 : i32 to vector<16xi32>
        %parallel_loop3A_216 = tpu.vector_load_idx %arg9[%parallel_loop3A_215, %parallel_loop3A_195] : memref<4x2048xf32, #tpu.memory_space<vmem>>[vector<16xi32>, vector<16xi32>], vector<16xf32>,
        %parallel_loop3A_217 = arith.constant 16 : i32
        %parallel_loop3A_218 = arith.muli %parallel_loop3A_191, %parallel_loop3A_217 : i32
        %parallel_loop3A_219 = arith.constant 2 : i32
        %parallel_loop3A_220 = arith.index_cast %parallel_loop3A_219 : i32 to index
        %parallel_loop3A_221 = arith.index_cast %parallel_loop3A_218 : i32 to index
        %parallel_loop3A_222 = tpu.vector_load %arg13[%parallel_loop3A_220, %parallel_loop3A_221] {strides = array<i32>} : memref<4x2048xf32, #tpu.memory_space<vmem>>, vector<16xf32>,
        tpu.vector_store %arg13[%parallel_loop3A_220, %parallel_loop3A_221], %parallel_loop3A_216 {strides = array<i32>} : memref<4x2048xf32, #tpu.memory_space<vmem>>, vector<16xf32>,
        %parallel_loop3A_223 = arith.constant 3 : i32
        %parallel_loop3A_224 = vector.broadcast %parallel_loop3A_223 : i32 to vector<16xi32>
        %parallel_loop3A_225 = tpu.vector_load_idx %arg9[%parallel_loop3A_224, %parallel_loop3A_195] : memref<4x2048xf32, #tpu.memory_space<vmem>>[vector<16xi32>, vector<16xi32>], vector<16xf32>,
        %parallel_loop3A_226 = arith.constant 16 : i32
        %parallel_loop3A_227 = arith.muli %parallel_loop3A_191, %parallel_loop3A_226 : i32
        %parallel_loop3A_228 = arith.constant 3 : i32
        %parallel_loop3A_229 = arith.index_cast %parallel_loop3A_228 : i32 to index
        %parallel_loop3A_230 = arith.index_cast %parallel_loop3A_227 : i32 to index
        %parallel_loop3A_231 = tpu.vector_load %arg13[%parallel_loop3A_229, %parallel_loop3A_230] {strides = array<i32>} : memref<4x2048xf32, #tpu.memory_space<vmem>>, vector<16xf32>,
        tpu.vector_store %arg13[%parallel_loop3A_229, %parallel_loop3A_230], %parallel_loop3A_225 {strides = array<i32>} : memref<4x2048xf32, #tpu.memory_space<vmem>>, vector<16xf32>,
      } {sc.loop_unroll_factor = 4 : i64, sc.parallel_access}
      %mul3A_79 = arith.constant 4 : i32
      %mul3A_80 = arith.muli %add3A_67, %mul3A_79 : i32
      %add3A_81 = arith.addi %mul3A_2, %mul3A_80 : i32
      %dma_start3A_82 = arith.constant 0 : i32
      %dma_start3A_83 = tpu.memref_slice %arg5[%add3A_81, %dma_start3A_82] : memref<32768x2048xf32, #tpu.memory_space<hbm>> -> memref<4x2048xf32, #tpu.memory_space<hbm>>
      %dma_start3A_84 = arith.constant 0 : i32
      %dma_start3A_85 = tpu.memref_slice %arg5[%add3A_81, %dma_start3A_84] : memref<32768x2048xf32, #tpu.memory_space<hbm>> -> memref<4x2048xf32, #tpu.memory_space<hbm>>
      tpu.enqueue_dma source(%arg13 : memref<4x2048xf32, #tpu.memory_space<vmem>>) target(%dma_start3A_85 : memref<4x2048xf32, #tpu.memory_space<hbm>>) target_semaphore(%arg21 : memref<!tpu.dma_semaphore, #tpu.memory_space<semaphore_mem>>)
      %add3A_86 = arith.constant 4 : i32
      %add3A_87 = arith.addi %add3A_67, %add3A_86 : i32
      %lt3A = arith.constant 256 : i32
      %lt3A_88 = arith.cmpi slt, %add3A_87, %lt3A : i32
      %convert_element_type3A_89 = arith.extui %lt3A_88 : i1 to i32
      %cond3A_90 = arith.constant 0 : i32
      %cond3A_91 = arith.cmpi ne, %convert_element_type3A_89, %cond3A_90 : i32
      scf.if %cond3A_91 {
        %add3A_191 = arith.constant 4 : i32
        %add3A_192 = arith.addi %add3A_67, %add3A_191 : i32
        %mul3A_193 = arith.constant 4 : i32
        %mul3A_194 = arith.muli %add3A_192, %mul3A_193 : i32
        %add3A_195 = arith.addi %mul3A_2, %mul3A_194 : i32
        %dma_start3A_196 = arith.constant 0 : i32
        %dma_start3A_197 = tpu.memref_slice %arg2[%add3A_195, %dma_start3A_196] : memref<32768x2048xf32, #tpu.memory_space<hbm>> -> memref<4x2048xf32, #tpu.memory_space<hbm>>
        %dma_start3A_198 = arith.constant 0 : i32
        %dma_start3A_199 = tpu.memref_slice %arg2[%add3A_195, %dma_start3A_198] : memref<32768x2048xf32, #tpu.memory_space<hbm>> -> memref<4x2048xf32, #tpu.memory_space<hbm>>
        tpu.enqueue_dma source(%dma_start3A_199 : memref<4x2048xf32, #tpu.memory_space<hbm>>) target(%arg9 : memref<4x2048xf32, #tpu.memory_space<vmem>>) target_semaphore(%arg17 : memref<!tpu.dma_semaphore, #tpu.memory_space<semaphore_mem>>)
      } else {
      }
      %mul3A_92 = arith.constant 4 : i32
      %mul3A_93 = arith.muli %add3A_63, %mul3A_92 : i32
      %add3A_94 = arith.constant 1 : i32
      %add3A_95 = arith.addi %mul3A_93, %add3A_94 : i32
      %mul3A_96 = arith.constant 4 : i32
      %mul3A_97 = arith.muli %add3A_95, %mul3A_96 : i32
      %add3A_98 = arith.addi %mul3A_2, %mul3A_97 : i32
      %dma_wait3A_99 = arith.constant 0 : i32
      %dma_wait3A_100 = tpu.memref_slice %arg2[%add3A_98, %dma_wait3A_99] : memref<32768x2048xf32, #tpu.memory_space<hbm>> -> memref<4x2048xf32, #tpu.memory_space<hbm>>
      %dma_wait3A_101 = arith.constant 0 : i32
      %dma_wait3A_102 = tpu.memref_slice %arg2[%add3A_98, %dma_wait3A_101] : memref<32768x2048xf32, #tpu.memory_space<hbm>> -> memref<4x2048xf32, #tpu.memory_space<hbm>>
      tpu.wait_dma2 semaphore(%arg18 : memref<!tpu.dma_semaphore, #tpu.memory_space<semaphore_mem>>) src(%dma_wait3A_102 : memref<4x2048xf32, #tpu.memory_space<hbm>>) dst(%arg10 : memref<4x2048xf32, #tpu.memory_space<vmem>>)
      %ge3A_103 = arith.constant 1 : i32
      %ge3A_104 = arith.cmpi sge, %add3A_63, %ge3A_103 : i32
      %convert_element_type3A_105 = arith.extui %ge3A_104 : i1 to i32
      %cond3A_106 = arith.constant 0 : i32
      %cond3A_107 = arith.cmpi ne, %convert_element_type3A_105, %cond3A_106 : i32
      scf.if %cond3A_107 {
        %sub3A = arith.constant 4 : i32
        %sub3A_191 = arith.subi %add3A_95, %sub3A : i32
        %mul3A_192 = arith.constant 4 : i32
        %mul3A_193 = arith.muli %sub3A_191, %mul3A_192 : i32
        %add3A_194 = arith.addi %mul3A_2, %mul3A_193 : i32
        %dma_wait3A_195 = arith.constant 0 : i32
        %dma_wait3A_196 = tpu.memref_slice %arg5[%add3A_194, %dma_wait3A_195] : memref<32768x2048xf32, #tpu.memory_space<hbm>> -> memref<4x2048xf32, #tpu.memory_space<hbm>>
        %dma_wait3A_197 = arith.constant 0 : i32
        %dma_wait3A_198 = tpu.memref_slice %arg5[%add3A_194, %dma_wait3A_197] : memref<32768x2048xf32, #tpu.memory_space<hbm>> -> memref<4x2048xf32, #tpu.memory_space<hbm>>
        tpu.wait_dma2 semaphore(%arg22 : memref<!tpu.dma_semaphore, #tpu.memory_space<semaphore_mem>>) src(%arg14 : memref<4x2048xf32, #tpu.memory_space<vmem>>) dst(%dma_wait3A_198 : memref<4x2048xf32, #tpu.memory_space<hbm>>)
      } else {
      }
      %parallel_loop3A_108 = arith.constant 0 : i32
      %parallel_loop3A_109 = arith.constant 128 : i32
      %parallel_loop3A_110 = arith.constant 1 : i32
      scf.for %parallel_loop3A_191 = %parallel_loop3A_108 to %parallel_loop3A_109 step %parallel_loop3A_110  : i32 {
        %parallel_loop3A_192 = arith.constant 16 : i32
        %parallel_loop3A_193 = arith.muli %parallel_loop3A_191, %parallel_loop3A_192 : i32
        %parallel_loop3A_194 = arith.index_cast %parallel_loop3A_193 : i32 to index
        %parallel_loop3A_195 = tpu.vector_load %arg7[%parallel_loop3A_194] {strides = array<i32>} : memref<2048xi32, #tpu.memory_space<vmem>>, vector<16xi32>,
        %parallel_loop3A_196 = arith.constant 0 : i32
        %parallel_loop3A_197 = vector.broadcast %parallel_loop3A_196 : i32 to vector<16xi32>
        %parallel_loop3A_198 = tpu.vector_load_idx %arg10[%parallel_loop3A_197, %parallel_loop3A_195] : memref<4x2048xf32, #tpu.memory_space<vmem>>[vector<16xi32>, vector<16xi32>], vector<16xf32>,
        %parallel_loop3A_199 = arith.constant 16 : i32
        %parallel_loop3A_200 = arith.muli %parallel_loop3A_191, %parallel_loop3A_199 : i32
        %parallel_loop3A_201 = arith.constant 0 : i32
        %parallel_loop3A_202 = arith.index_cast %parallel_loop3A_201 : i32 to index
        %parallel_loop3A_203 = arith.index_cast %parallel_loop3A_200 : i32 to index
        %parallel_loop3A_204 = tpu.vector_load %arg14[%parallel_loop3A_202, %parallel_loop3A_203] {strides = array<i32>} : memref<4x2048xf32, #tpu.memory_space<vmem>>, vector<16xf32>,
        tpu.vector_store %arg14[%parallel_loop3A_202, %parallel_loop3A_203], %parallel_loop3A_198 {strides = array<i32>} : memref<4x2048xf32, #tpu.memory_space<vmem>>, vector<16xf32>,
        %parallel_loop3A_205 = arith.constant 1 : i32
        %parallel_loop3A_206 = vector.broadcast %parallel_loop3A_205 : i32 to vector<16xi32>
        %parallel_loop3A_207 = tpu.vector_load_idx %arg10[%parallel_loop3A_206, %parallel_loop3A_195] : memref<4x2048xf32, #tpu.memory_space<vmem>>[vector<16xi32>, vector<16xi32>], vector<16xf32>,
        %parallel_loop3A_208 = arith.constant 16 : i32
        %parallel_loop3A_209 = arith.muli %parallel_loop3A_191, %parallel_loop3A_208 : i32
        %parallel_loop3A_210 = arith.constant 1 : i32
        %parallel_loop3A_211 = arith.index_cast %parallel_loop3A_210 : i32 to index
        %parallel_loop3A_212 = arith.index_cast %parallel_loop3A_209 : i32 to index
        %parallel_loop3A_213 = tpu.vector_load %arg14[%parallel_loop3A_211, %parallel_loop3A_212] {strides = array<i32>} : memref<4x2048xf32, #tpu.memory_space<vmem>>, vector<16xf32>,
        tpu.vector_store %arg14[%parallel_loop3A_211, %parallel_loop3A_212], %parallel_loop3A_207 {strides = array<i32>} : memref<4x2048xf32, #tpu.memory_space<vmem>>, vector<16xf32>,
        %parallel_loop3A_214 = arith.constant 2 : i32
        %parallel_loop3A_215 = vector.broadcast %parallel_loop3A_214 : i32 to vector<16xi32>
        %parallel_loop3A_216 = tpu.vector_load_idx %arg10[%parallel_loop3A_215, %parallel_loop3A_195] : memref<4x2048xf32, #tpu.memory_space<vmem>>[vector<16xi32>, vector<16xi32>], vector<16xf32>,
        %parallel_loop3A_217 = arith.constant 16 : i32
        %parallel_loop3A_218 = arith.muli %parallel_loop3A_191, %parallel_loop3A_217 : i32
        %parallel_loop3A_219 = arith.constant 2 : i32
        %parallel_loop3A_220 = arith.index_cast %parallel_loop3A_219 : i32 to index
        %parallel_loop3A_221 = arith.index_cast %parallel_loop3A_218 : i32 to index
        %parallel_loop3A_222 = tpu.vector_load %arg14[%parallel_loop3A_220, %parallel_loop3A_221] {strides = array<i32>} : memref<4x2048xf32, #tpu.memory_space<vmem>>, vector<16xf32>,
        tpu.vector_store %arg14[%parallel_loop3A_220, %parallel_loop3A_221], %parallel_loop3A_216 {strides = array<i32>} : memref<4x2048xf32, #tpu.memory_space<vmem>>, vector<16xf32>,
        %parallel_loop3A_223 = arith.constant 3 : i32
        %parallel_loop3A_224 = vector.broadcast %parallel_loop3A_223 : i32 to vector<16xi32>
        %parallel_loop3A_225 = tpu.vector_load_idx %arg10[%parallel_loop3A_224, %parallel_loop3A_195] : memref<4x2048xf32, #tpu.memory_space<vmem>>[vector<16xi32>, vector<16xi32>], vector<16xf32>,
        %parallel_loop3A_226 = arith.constant 16 : i32
        %parallel_loop3A_227 = arith.muli %parallel_loop3A_191, %parallel_loop3A_226 : i32
        %parallel_loop3A_228 = arith.constant 3 : i32
        %parallel_loop3A_229 = arith.index_cast %parallel_loop3A_228 : i32 to index
        %parallel_loop3A_230 = arith.index_cast %parallel_loop3A_227 : i32 to index
        %parallel_loop3A_231 = tpu.vector_load %arg14[%parallel_loop3A_229, %parallel_loop3A_230] {strides = array<i32>} : memref<4x2048xf32, #tpu.memory_space<vmem>>, vector<16xf32>,
        tpu.vector_store %arg14[%parallel_loop3A_229, %parallel_loop3A_230], %parallel_loop3A_225 {strides = array<i32>} : memref<4x2048xf32, #tpu.memory_space<vmem>>, vector<16xf32>,
      } {sc.loop_unroll_factor = 4 : i64, sc.parallel_access}
      %mul3A_111 = arith.constant 4 : i32
      %mul3A_112 = arith.muli %add3A_95, %mul3A_111 : i32
      %add3A_113 = arith.addi %mul3A_2, %mul3A_112 : i32
      %dma_start3A_114 = arith.constant 0 : i32
      %dma_start3A_115 = tpu.memref_slice %arg5[%add3A_113, %dma_start3A_114] : memref<32768x2048xf32, #tpu.memory_space<hbm>> -> memref<4x2048xf32, #tpu.memory_space<hbm>>
      %dma_start3A_116 = arith.constant 0 : i32
      %dma_start3A_117 = tpu.memref_slice %arg5[%add3A_113, %dma_start3A_116] : memref<32768x2048xf32, #tpu.memory_space<hbm>> -> memref<4x2048xf32, #tpu.memory_space<hbm>>
      tpu.enqueue_dma source(%arg14 : memref<4x2048xf32, #tpu.memory_space<vmem>>) target(%dma_start3A_117 : memref<4x2048xf32, #tpu.memory_space<hbm>>) target_semaphore(%arg22 : memref<!tpu.dma_semaphore, #tpu.memory_space<semaphore_mem>>)
      %add3A_118 = arith.constant 4 : i32
      %add3A_119 = arith.addi %add3A_95, %add3A_118 : i32
      %lt3A_120 = arith.constant 256 : i32
      %lt3A_121 = arith.cmpi slt, %add3A_119, %lt3A_120 : i32
      %convert_element_type3A_122 = arith.extui %lt3A_121 : i1 to i32
      %cond3A_123 = arith.constant 0 : i32
      %cond3A_124 = arith.cmpi ne, %convert_element_type3A_122, %cond3A_123 : i32
      scf.if %cond3A_124 {
        %add3A_191 = arith.constant 4 : i32
        %add3A_192 = arith.addi %add3A_95, %add3A_191 : i32
        %mul3A_193 = arith.constant 4 : i32
        %mul3A_194 = arith.muli %add3A_192, %mul3A_193 : i32
        %add3A_195 = arith.addi %mul3A_2, %mul3A_194 : i32
        %dma_start3A_196 = arith.constant 0 : i32
        %dma_start3A_197 = tpu.memref_slice %arg2[%add3A_195, %dma_start3A_196] : memref<32768x2048xf32, #tpu.memory_space<hbm>> -> memref<4x2048xf32, #tpu.memory_space<hbm>>
        %dma_start3A_198 = arith.constant 0 : i32
        %dma_start3A_199 = tpu.memref_slice %arg2[%add3A_195, %dma_start3A_198] : memref<32768x2048xf32, #tpu.memory_space<hbm>> -> memref<4x2048xf32, #tpu.memory_space<hbm>>
        tpu.enqueue_dma source(%dma_start3A_199 : memref<4x2048xf32, #tpu.memory_space<hbm>>) target(%arg10 : memref<4x2048xf32, #tpu.memory_space<vmem>>) target_semaphore(%arg18 : memref<!tpu.dma_semaphore, #tpu.memory_space<semaphore_mem>>)
      } else {
      }
      %mul3A_125 = arith.constant 4 : i32
      %mul3A_126 = arith.muli %add3A_63, %mul3A_125 : i32
      %add3A_127 = arith.constant 2 : i32
      %add3A_128 = arith.addi %mul3A_126, %add3A_127 : i32
      %mul3A_129 = arith.constant 4 : i32
      %mul3A_130 = arith.muli %add3A_128, %mul3A_129 : i32
      %add3A_131 = arith.addi %mul3A_2, %mul3A_130 : i32
      %dma_wait3A_132 = arith.constant 0 : i32
      %dma_wait3A_133 = tpu.memref_slice %arg2[%add3A_131, %dma_wait3A_132] : memref<32768x2048xf32, #tpu.memory_space<hbm>> -> memref<4x2048xf32, #tpu.memory_space<hbm>>
      %dma_wait3A_134 = arith.constant 0 : i32
      %dma_wait3A_135 = tpu.memref_slice %arg2[%add3A_131, %dma_wait3A_134] : memref<32768x2048xf32, #tpu.memory_space<hbm>> -> memref<4x2048xf32, #tpu.memory_space<hbm>>
      tpu.wait_dma2 semaphore(%arg19 : memref<!tpu.dma_semaphore, #tpu.memory_space<semaphore_mem>>) src(%dma_wait3A_135 : memref<4x2048xf32, #tpu.memory_space<hbm>>) dst(%arg11 : memref<4x2048xf32, #tpu.memory_space<vmem>>)
      %ge3A_136 = arith.constant 1 : i32
      %ge3A_137 = arith.cmpi sge, %add3A_63, %ge3A_136 : i32
      %convert_element_type3A_138 = arith.extui %ge3A_137 : i1 to i32
      %cond3A_139 = arith.constant 0 : i32
      %cond3A_140 = arith.cmpi ne, %convert_element_type3A_138, %cond3A_139 : i32
      scf.if %cond3A_140 {
        %sub3A = arith.constant 4 : i32
        %sub3A_191 = arith.subi %add3A_128, %sub3A : i32
        %mul3A_192 = arith.constant 4 : i32
        %mul3A_193 = arith.muli %sub3A_191, %mul3A_192 : i32
        %add3A_194 = arith.addi %mul3A_2, %mul3A_193 : i32
        %dma_wait3A_195 = arith.constant 0 : i32
        %dma_wait3A_196 = tpu.memref_slice %arg5[%add3A_194, %dma_wait3A_195] : memref<32768x2048xf32, #tpu.memory_space<hbm>> -> memref<4x2048xf32, #tpu.memory_space<hbm>>
        %dma_wait3A_197 = arith.constant 0 : i32
        %dma_wait3A_198 = tpu.memref_slice %arg5[%add3A_194, %dma_wait3A_197] : memref<32768x2048xf32, #tpu.memory_space<hbm>> -> memref<4x2048xf32, #tpu.memory_space<hbm>>
        tpu.wait_dma2 semaphore(%arg23 : memref<!tpu.dma_semaphore, #tpu.memory_space<semaphore_mem>>) src(%arg15 : memref<4x2048xf32, #tpu.memory_space<vmem>>) dst(%dma_wait3A_198 : memref<4x2048xf32, #tpu.memory_space<hbm>>)
      } else {
      }
      %parallel_loop3A_141 = arith.constant 0 : i32
      %parallel_loop3A_142 = arith.constant 128 : i32
      %parallel_loop3A_143 = arith.constant 1 : i32
      scf.for %parallel_loop3A_191 = %parallel_loop3A_141 to %parallel_loop3A_142 step %parallel_loop3A_143  : i32 {
        %parallel_loop3A_192 = arith.constant 16 : i32
        %parallel_loop3A_193 = arith.muli %parallel_loop3A_191, %parallel_loop3A_192 : i32
        %parallel_loop3A_194 = arith.index_cast %parallel_loop3A_193 : i32 to index
        %parallel_loop3A_195 = tpu.vector_load %arg7[%parallel_loop3A_194] {strides = array<i32>} : memref<2048xi32, #tpu.memory_space<vmem>>, vector<16xi32>,
        %parallel_loop3A_196 = arith.constant 0 : i32
        %parallel_loop3A_197 = vector.broadcast %parallel_loop3A_196 : i32 to vector<16xi32>
        %parallel_loop3A_198 = tpu.vector_load_idx %arg11[%parallel_loop3A_197, %parallel_loop3A_195] : memref<4x2048xf32, #tpu.memory_space<vmem>>[vector<16xi32>, vector<16xi32>], vector<16xf32>,
        %parallel_loop3A_199 = arith.constant 16 : i32
        %parallel_loop3A_200 = arith.muli %parallel_loop3A_191, %parallel_loop3A_199 : i32
        %parallel_loop3A_201 = arith.constant 0 : i32
        %parallel_loop3A_202 = arith.index_cast %parallel_loop3A_201 : i32 to index
        %parallel_loop3A_203 = arith.index_cast %parallel_loop3A_200 : i32 to index
        %parallel_loop3A_204 = tpu.vector_load %arg15[%parallel_loop3A_202, %parallel_loop3A_203] {strides = array<i32>} : memref<4x2048xf32, #tpu.memory_space<vmem>>, vector<16xf32>,
        tpu.vector_store %arg15[%parallel_loop3A_202, %parallel_loop3A_203], %parallel_loop3A_198 {strides = array<i32>} : memref<4x2048xf32, #tpu.memory_space<vmem>>, vector<16xf32>,
        %parallel_loop3A_205 = arith.constant 1 : i32
        %parallel_loop3A_206 = vector.broadcast %parallel_loop3A_205 : i32 to vector<16xi32>
        %parallel_loop3A_207 = tpu.vector_load_idx %arg11[%parallel_loop3A_206, %parallel_loop3A_195] : memref<4x2048xf32, #tpu.memory_space<vmem>>[vector<16xi32>, vector<16xi32>], vector<16xf32>,
        %parallel_loop3A_208 = arith.constant 16 : i32
        %parallel_loop3A_209 = arith.muli %parallel_loop3A_191, %parallel_loop3A_208 : i32
        %parallel_loop3A_210 = arith.constant 1 : i32
        %parallel_loop3A_211 = arith.index_cast %parallel_loop3A_210 : i32 to index
        %parallel_loop3A_212 = arith.index_cast %parallel_loop3A_209 : i32 to index
        %parallel_loop3A_213 = tpu.vector_load %arg15[%parallel_loop3A_211, %parallel_loop3A_212] {strides = array<i32>} : memref<4x2048xf32, #tpu.memory_space<vmem>>, vector<16xf32>,
        tpu.vector_store %arg15[%parallel_loop3A_211, %parallel_loop3A_212], %parallel_loop3A_207 {strides = array<i32>} : memref<4x2048xf32, #tpu.memory_space<vmem>>, vector<16xf32>,
        %parallel_loop3A_214 = arith.constant 2 : i32
        %parallel_loop3A_215 = vector.broadcast %parallel_loop3A_214 : i32 to vector<16xi32>
        %parallel_loop3A_216 = tpu.vector_load_idx %arg11[%parallel_loop3A_215, %parallel_loop3A_195] : memref<4x2048xf32, #tpu.memory_space<vmem>>[vector<16xi32>, vector<16xi32>], vector<16xf32>,
        %parallel_loop3A_217 = arith.constant 16 : i32
        %parallel_loop3A_218 = arith.muli %parallel_loop3A_191, %parallel_loop3A_217 : i32
        %parallel_loop3A_219 = arith.constant 2 : i32
        %parallel_loop3A_220 = arith.index_cast %parallel_loop3A_219 : i32 to index
        %parallel_loop3A_221 = arith.index_cast %parallel_loop3A_218 : i32 to index
        %parallel_loop3A_222 = tpu.vector_load %arg15[%parallel_loop3A_220, %parallel_loop3A_221] {strides = array<i32>} : memref<4x2048xf32, #tpu.memory_space<vmem>>, vector<16xf32>,
        tpu.vector_store %arg15[%parallel_loop3A_220, %parallel_loop3A_221], %parallel_loop3A_216 {strides = array<i32>} : memref<4x2048xf32, #tpu.memory_space<vmem>>, vector<16xf32>,
        %parallel_loop3A_223 = arith.constant 3 : i32
        %parallel_loop3A_224 = vector.broadcast %parallel_loop3A_223 : i32 to vector<16xi32>
        %parallel_loop3A_225 = tpu.vector_load_idx %arg11[%parallel_loop3A_224, %parallel_loop3A_195] : memref<4x2048xf32, #tpu.memory_space<vmem>>[vector<16xi32>, vector<16xi32>], vector<16xf32>,
        %parallel_loop3A_226 = arith.constant 16 : i32
        %parallel_loop3A_227 = arith.muli %parallel_loop3A_191, %parallel_loop3A_226 : i32
        %parallel_loop3A_228 = arith.constant 3 : i32
        %parallel_loop3A_229 = arith.index_cast %parallel_loop3A_228 : i32 to index
        %parallel_loop3A_230 = arith.index_cast %parallel_loop3A_227 : i32 to index
        %parallel_loop3A_231 = tpu.vector_load %arg15[%parallel_loop3A_229, %parallel_loop3A_230] {strides = array<i32>} : memref<4x2048xf32, #tpu.memory_space<vmem>>, vector<16xf32>,
        tpu.vector_store %arg15[%parallel_loop3A_229, %parallel_loop3A_230], %parallel_loop3A_225 {strides = array<i32>} : memref<4x2048xf32, #tpu.memory_space<vmem>>, vector<16xf32>,
      } {sc.loop_unroll_factor = 4 : i64, sc.parallel_access}
      %mul3A_144 = arith.constant 4 : i32
      %mul3A_145 = arith.muli %add3A_128, %mul3A_144 : i32
      %add3A_146 = arith.addi %mul3A_2, %mul3A_145 : i32
      %dma_start3A_147 = arith.constant 0 : i32
      %dma_start3A_148 = tpu.memref_slice %arg5[%add3A_146, %dma_start3A_147] : memref<32768x2048xf32, #tpu.memory_space<hbm>> -> memref<4x2048xf32, #tpu.memory_space<hbm>>
      %dma_start3A_149 = arith.constant 0 : i32
      %dma_start3A_150 = tpu.memref_slice %arg5[%add3A_146, %dma_start3A_149] : memref<32768x2048xf32, #tpu.memory_space<hbm>> -> memref<4x2048xf32, #tpu.memory_space<hbm>>
      tpu.enqueue_dma source(%arg15 : memref<4x2048xf32, #tpu.memory_space<vmem>>) target(%dma_start3A_150 : memref<4x2048xf32, #tpu.memory_space<hbm>>) target_semaphore(%arg23 : memref<!tpu.dma_semaphore, #tpu.memory_space<semaphore_mem>>)
      %add3A_151 = arith.constant 4 : i32
      %add3A_152 = arith.addi %add3A_128, %add3A_151 : i32
      %lt3A_153 = arith.constant 256 : i32
      %lt3A_154 = arith.cmpi slt, %add3A_152, %lt3A_153 : i32
      %convert_element_type3A_155 = arith.extui %lt3A_154 : i1 to i32
      %cond3A_156 = arith.constant 0 : i32
      %cond3A_157 = arith.cmpi ne, %convert_element_type3A_155, %cond3A_156 : i32
      scf.if %cond3A_157 {
        %add3A_191 = arith.constant 4 : i32
        %add3A_192 = arith.addi %add3A_128, %add3A_191 : i32
        %mul3A_193 = arith.constant 4 : i32
        %mul3A_194 = arith.muli %add3A_192, %mul3A_193 : i32
        %add3A_195 = arith.addi %mul3A_2, %mul3A_194 : i32
        %dma_start3A_196 = arith.constant 0 : i32
        %dma_start3A_197 = tpu.memref_slice %arg2[%add3A_195, %dma_start3A_196] : memref<32768x2048xf32, #tpu.memory_space<hbm>> -> memref<4x2048xf32, #tpu.memory_space<hbm>>
        %dma_start3A_198 = arith.constant 0 : i32
        %dma_start3A_199 = tpu.memref_slice %arg2[%add3A_195, %dma_start3A_198] : memref<32768x2048xf32, #tpu.memory_space<hbm>> -> memref<4x2048xf32, #tpu.memory_space<hbm>>
        tpu.enqueue_dma source(%dma_start3A_199 : memref<4x2048xf32, #tpu.memory_space<hbm>>) target(%arg11 : memref<4x2048xf32, #tpu.memory_space<vmem>>) target_semaphore(%arg19 : memref<!tpu.dma_semaphore, #tpu.memory_space<semaphore_mem>>)
      } else {
      }
      %mul3A_158 = arith.constant 4 : i32
      %mul3A_159 = arith.muli %add3A_63, %mul3A_158 : i32
      %add3A_160 = arith.constant 3 : i32
      %add3A_161 = arith.addi %mul3A_159, %add3A_160 : i32
      %mul3A_162 = arith.constant 4 : i32
      %mul3A_163 = arith.muli %add3A_161, %mul3A_162 : i32
      %add3A_164 = arith.addi %mul3A_2, %mul3A_163 : i32
      %dma_wait3A_165 = arith.constant 0 : i32
      %dma_wait3A_166 = tpu.memref_slice %arg2[%add3A_164, %dma_wait3A_165] : memref<32768x2048xf32, #tpu.memory_space<hbm>> -> memref<4x2048xf32, #tpu.memory_space<hbm>>
      %dma_wait3A_167 = arith.constant 0 : i32
      %dma_wait3A_168 = tpu.memref_slice %arg2[%add3A_164, %dma_wait3A_167] : memref<32768x2048xf32, #tpu.memory_space<hbm>> -> memref<4x2048xf32, #tpu.memory_space<hbm>>
      tpu.wait_dma2 semaphore(%arg20 : memref<!tpu.dma_semaphore, #tpu.memory_space<semaphore_mem>>) src(%dma_wait3A_168 : memref<4x2048xf32, #tpu.memory_space<hbm>>) dst(%arg12 : memref<4x2048xf32, #tpu.memory_space<vmem>>)
      %ge3A_169 = arith.constant 1 : i32
      %ge3A_170 = arith.cmpi sge, %add3A_63, %ge3A_169 : i32
      %convert_element_type3A_171 = arith.extui %ge3A_170 : i1 to i32
      %cond3A_172 = arith.constant 0 : i32
      %cond3A_173 = arith.cmpi ne, %convert_element_type3A_171, %cond3A_172 : i32
      scf.if %cond3A_173 {
        %sub3A = arith.constant 4 : i32
        %sub3A_191 = arith.subi %add3A_161, %sub3A : i32
        %mul3A_192 = arith.constant 4 : i32
        %mul3A_193 = arith.muli %sub3A_191, %mul3A_192 : i32
        %add3A_194 = arith.addi %mul3A_2, %mul3A_193 : i32
        %dma_wait3A_195 = arith.constant 0 : i32
        %dma_wait3A_196 = tpu.memref_slice %arg5[%add3A_194, %dma_wait3A_195] : memref<32768x2048xf32, #tpu.memory_space<hbm>> -> memref<4x2048xf32, #tpu.memory_space<hbm>>
        %dma_wait3A_197 = arith.constant 0 : i32
        %dma_wait3A_198 = tpu.memref_slice %arg5[%add3A_194, %dma_wait3A_197] : memref<32768x2048xf32, #tpu.memory_space<hbm>> -> memref<4x2048xf32, #tpu.memory_space<hbm>>
        tpu.wait_dma2 semaphore(%arg24 : memref<!tpu.dma_semaphore, #tpu.memory_space<semaphore_mem>>) src(%arg16 : memref<4x2048xf32, #tpu.memory_space<vmem>>) dst(%dma_wait3A_198 : memref<4x2048xf32, #tpu.memory_space<hbm>>)
      } else {
      }
      %parallel_loop3A_174 = arith.constant 0 : i32
      %parallel_loop3A_175 = arith.constant 128 : i32
      %parallel_loop3A_176 = arith.constant 1 : i32
      scf.for %parallel_loop3A_191 = %parallel_loop3A_174 to %parallel_loop3A_175 step %parallel_loop3A_176  : i32 {
        %parallel_loop3A_192 = arith.constant 16 : i32
        %parallel_loop3A_193 = arith.muli %parallel_loop3A_191, %parallel_loop3A_192 : i32
        %parallel_loop3A_194 = arith.index_cast %parallel_loop3A_193 : i32 to index
        %parallel_loop3A_195 = tpu.vector_load %arg7[%parallel_loop3A_194] {strides = array<i32>} : memref<2048xi32, #tpu.memory_space<vmem>>, vector<16xi32>,
        %parallel_loop3A_196 = arith.constant 0 : i32
        %parallel_loop3A_197 = vector.broadcast %parallel_loop3A_196 : i32 to vector<16xi32>
        %parallel_loop3A_198 = tpu.vector_load_idx %arg12[%parallel_loop3A_197, %parallel_loop3A_195] : memref<4x2048xf32, #tpu.memory_space<vmem>>[vector<16xi32>, vector<16xi32>], vector<16xf32>,
        %parallel_loop3A_199 = arith.constant 16 : i32
        %parallel_loop3A_200 = arith.muli %parallel_loop3A_191, %parallel_loop3A_199 : i32
        %parallel_loop3A_201 = arith.constant 0 : i32
        %parallel_loop3A_202 = arith.index_cast %parallel_loop3A_201 : i32 to index
        %parallel_loop3A_203 = arith.index_cast %parallel_loop3A_200 : i32 to index
        %parallel_loop3A_204 = tpu.vector_load %arg16[%parallel_loop3A_202, %parallel_loop3A_203] {strides = array<i32>} : memref<4x2048xf32, #tpu.memory_space<vmem>>, vector<16xf32>,
        tpu.vector_store %arg16[%parallel_loop3A_202, %parallel_loop3A_203], %parallel_loop3A_198 {strides = array<i32>} : memref<4x2048xf32, #tpu.memory_space<vmem>>, vector<16xf32>,
        %parallel_loop3A_205 = arith.constant 1 : i32
        %parallel_loop3A_206 = vector.broadcast %parallel_loop3A_205 : i32 to vector<16xi32>
        %parallel_loop3A_207 = tpu.vector_load_idx %arg12[%parallel_loop3A_206, %parallel_loop3A_195] : memref<4x2048xf32, #tpu.memory_space<vmem>>[vector<16xi32>, vector<16xi32>], vector<16xf32>,
        %parallel_loop3A_208 = arith.constant 16 : i32
        %parallel_loop3A_209 = arith.muli %parallel_loop3A_191, %parallel_loop3A_208 : i32
        %parallel_loop3A_210 = arith.constant 1 : i32
        %parallel_loop3A_211 = arith.index_cast %parallel_loop3A_210 : i32 to index
        %parallel_loop3A_212 = arith.index_cast %parallel_loop3A_209 : i32 to index
        %parallel_loop3A_213 = tpu.vector_load %arg16[%parallel_loop3A_211, %parallel_loop3A_212] {strides = array<i32>} : memref<4x2048xf32, #tpu.memory_space<vmem>>, vector<16xf32>,
        tpu.vector_store %arg16[%parallel_loop3A_211, %parallel_loop3A_212], %parallel_loop3A_207 {strides = array<i32>} : memref<4x2048xf32, #tpu.memory_space<vmem>>, vector<16xf32>,
        %parallel_loop3A_214 = arith.constant 2 : i32
        %parallel_loop3A_215 = vector.broadcast %parallel_loop3A_214 : i32 to vector<16xi32>
        %parallel_loop3A_216 = tpu.vector_load_idx %arg12[%parallel_loop3A_215, %parallel_loop3A_195] : memref<4x2048xf32, #tpu.memory_space<vmem>>[vector<16xi32>, vector<16xi32>], vector<16xf32>,
        %parallel_loop3A_217 = arith.constant 16 : i32
        %parallel_loop3A_218 = arith.muli %parallel_loop3A_191, %parallel_loop3A_217 : i32
        %parallel_loop3A_219 = arith.constant 2 : i32
        %parallel_loop3A_220 = arith.index_cast %parallel_loop3A_219 : i32 to index
        %parallel_loop3A_221 = arith.index_cast %parallel_loop3A_218 : i32 to index
        %parallel_loop3A_222 = tpu.vector_load %arg16[%parallel_loop3A_220, %parallel_loop3A_221] {strides = array<i32>} : memref<4x2048xf32, #tpu.memory_space<vmem>>, vector<16xf32>,
        tpu.vector_store %arg16[%parallel_loop3A_220, %parallel_loop3A_221], %parallel_loop3A_216 {strides = array<i32>} : memref<4x2048xf32, #tpu.memory_space<vmem>>, vector<16xf32>,
        %parallel_loop3A_223 = arith.constant 3 : i32
        %parallel_loop3A_224 = vector.broadcast %parallel_loop3A_223 : i32 to vector<16xi32>
        %parallel_loop3A_225 = tpu.vector_load_idx %arg12[%parallel_loop3A_224, %parallel_loop3A_195] : memref<4x2048xf32, #tpu.memory_space<vmem>>[vector<16xi32>, vector<16xi32>], vector<16xf32>,
        %parallel_loop3A_226 = arith.constant 16 : i32
        %parallel_loop3A_227 = arith.muli %parallel_loop3A_191, %parallel_loop3A_226 : i32
        %parallel_loop3A_228 = arith.constant 3 : i32
        %parallel_loop3A_229 = arith.index_cast %parallel_loop3A_228 : i32 to index
        %parallel_loop3A_230 = arith.index_cast %parallel_loop3A_227 : i32 to index
        %parallel_loop3A_231 = tpu.vector_load %arg16[%parallel_loop3A_229, %parallel_loop3A_230] {strides = array<i32>} : memref<4x2048xf32, #tpu.memory_space<vmem>>, vector<16xf32>,
        tpu.vector_store %arg16[%parallel_loop3A_229, %parallel_loop3A_230], %parallel_loop3A_225 {strides = array<i32>} : memref<4x2048xf32, #tpu.memory_space<vmem>>, vector<16xf32>,
      } {sc.loop_unroll_factor = 4 : i64, sc.parallel_access}
      %mul3A_177 = arith.constant 4 : i32
      %mul3A_178 = arith.muli %add3A_161, %mul3A_177 : i32
      %add3A_179 = arith.addi %mul3A_2, %mul3A_178 : i32
      %dma_start3A_180 = arith.constant 0 : i32
      %dma_start3A_181 = tpu.memref_slice %arg5[%add3A_179, %dma_start3A_180] : memref<32768x2048xf32, #tpu.memory_space<hbm>> -> memref<4x2048xf32, #tpu.memory_space<hbm>>
      %dma_start3A_182 = arith.constant 0 : i32
      %dma_start3A_183 = tpu.memref_slice %arg5[%add3A_179, %dma_start3A_182] : memref<32768x2048xf32, #tpu.memory_space<hbm>> -> memref<4x2048xf32, #tpu.memory_space<hbm>>
      tpu.enqueue_dma source(%arg16 : memref<4x2048xf32, #tpu.memory_space<vmem>>) target(%dma_start3A_183 : memref<4x2048xf32, #tpu.memory_space<hbm>>) target_semaphore(%arg24 : memref<!tpu.dma_semaphore, #tpu.memory_space<semaphore_mem>>)
      %add3A_184 = arith.constant 4 : i32
      %add3A_185 = arith.addi %add3A_161, %add3A_184 : i32
      %lt3A_186 = arith.constant 256 : i32
      %lt3A_187 = arith.cmpi slt, %add3A_185, %lt3A_186 : i32
      %convert_element_type3A_188 = arith.extui %lt3A_187 : i1 to i32
      %cond3A_189 = arith.constant 0 : i32
      %cond3A_190 = arith.cmpi ne, %convert_element_type3A_188, %cond3A_189 : i32
      scf.if %cond3A_190 {
        %add3A_191 = arith.constant 4 : i32
        %add3A_192 = arith.addi %add3A_161, %add3A_191 : i32
        %mul3A_193 = arith.constant 4 : i32
        %mul3A_194 = arith.muli %add3A_192, %mul3A_193 : i32
        %add3A_195 = arith.addi %mul3A_2, %mul3A_194 : i32
        %dma_start3A_196 = arith.constant 0 : i32
        %dma_start3A_197 = tpu.memref_slice %arg2[%add3A_195, %dma_start3A_196] : memref<32768x2048xf32, #tpu.memory_space<hbm>> -> memref<4x2048xf32, #tpu.memory_space<hbm>>
        %dma_start3A_198 = arith.constant 0 : i32
        %dma_start3A_199 = tpu.memref_slice %arg2[%add3A_195, %dma_start3A_198] : memref<32768x2048xf32, #tpu.memory_space<hbm>> -> memref<4x2048xf32, #tpu.memory_space<hbm>>
        tpu.enqueue_dma source(%dma_start3A_199 : memref<4x2048xf32, #tpu.memory_space<hbm>>) target(%arg12 : memref<4x2048xf32, #tpu.memory_space<vmem>>) target_semaphore(%arg20 : memref<!tpu.dma_semaphore, #tpu.memory_space<semaphore_mem>>)
      } else {
      }
    }
    %scan3A_35 = arith.constant 64 : i32
    %add3A_36 = arith.constant 1008 : i32
    %add3A_37 = arith.addi %mul3A_2, %add3A_36 : i32
    %dma_wait3A = arith.constant 0 : i32
    %dma_wait3A_38 = tpu.memref_slice %arg5[%add3A_37, %dma_wait3A] : memref<32768x2048xf32, #tpu.memory_space<hbm>> -> memref<4x2048xf32, #tpu.memory_space<hbm>>
    %dma_wait3A_39 = arith.constant 0 : i32
    %dma_wait3A_40 = tpu.memref_slice %arg5[%add3A_37, %dma_wait3A_39] : memref<32768x2048xf32, #tpu.memory_space<hbm>> -> memref<4x2048xf32, #tpu.memory_space<hbm>>
    tpu.wait_dma2 semaphore(%arg21 : memref<!tpu.dma_semaphore, #tpu.memory_space<semaphore_mem>>) src(%arg13 : memref<4x2048xf32, #tpu.memory_space<vmem>>) dst(%dma_wait3A_40 : memref<4x2048xf32, #tpu.memory_space<hbm>>)
    %add3A_41 = arith.constant 1012 : i32
    %add3A_42 = arith.addi %mul3A_2, %add3A_41 : i32
    %dma_wait3A_43 = arith.constant 0 : i32
    %dma_wait3A_44 = tpu.memref_slice %arg5[%add3A_42, %dma_wait3A_43] : memref<32768x2048xf32, #tpu.memory_space<hbm>> -> memref<4x2048xf32, #tpu.memory_space<hbm>>
    %dma_wait3A_45 = arith.constant 0 : i32
    %dma_wait3A_46 = tpu.memref_slice %arg5[%add3A_42, %dma_wait3A_45] : memref<32768x2048xf32, #tpu.memory_space<hbm>> -> memref<4x2048xf32, #tpu.memory_space<hbm>>
    tpu.wait_dma2 semaphore(%arg22 : memref<!tpu.dma_semaphore, #tpu.memory_space<semaphore_mem>>) src(%arg14 : memref<4x2048xf32, #tpu.memory_space<vmem>>) dst(%dma_wait3A_46 : memref<4x2048xf32, #tpu.memory_space<hbm>>)
    %add3A_47 = arith.constant 1016 : i32
    %add3A_48 = arith.addi %mul3A_2, %add3A_47 : i32
    %dma_wait3A_49 = arith.constant 0 : i32
    %dma_wait3A_50 = tpu.memref_slice %arg5[%add3A_48, %dma_wait3A_49] : memref<32768x2048xf32, #tpu.memory_space<hbm>> -> memref<4x2048xf32, #tpu.memory_space<hbm>>
    %dma_wait3A_51 = arith.constant 0 : i32
    %dma_wait3A_52 = tpu.memref_slice %arg5[%add3A_48, %dma_wait3A_51] : memref<32768x2048xf32, #tpu.memory_space<hbm>> -> memref<4x2048xf32, #tpu.memory_space<hbm>>
    tpu.wait_dma2 semaphore(%arg23 : memref<!tpu.dma_semaphore, #tpu.memory_space<semaphore_mem>>) src(%arg15 : memref<4x2048xf32, #tpu.memory_space<vmem>>) dst(%dma_wait3A_52 : memref<4x2048xf32, #tpu.memory_space<hbm>>)
    %add3A_53 = arith.constant 1020 : i32
    %add3A_54 = arith.addi %mul3A_2, %add3A_53 : i32
    %dma_wait3A_55 = arith.constant 0 : i32
    %dma_wait3A_56 = tpu.memref_slice %arg5[%add3A_54, %dma_wait3A_55] : memref<32768x2048xf32, #tpu.memory_space<hbm>> -> memref<4x2048xf32, #tpu.memory_space<hbm>>
    %dma_wait3A_57 = arith.constant 0 : i32
    %dma_wait3A_58 = tpu.memref_slice %arg5[%add3A_54, %dma_wait3A_57] : memref<32768x2048xf32, #tpu.memory_space<hbm>> -> memref<4x2048xf32, #tpu.memory_space<hbm>>
    tpu.wait_dma2 semaphore(%arg24 : memref<!tpu.dma_semaphore, #tpu.memory_space<semaphore_mem>>) src(%arg16 : memref<4x2048xf32, #tpu.memory_space<vmem>>) dst(%dma_wait3A_58 : memref<4x2048xf32, #tpu.memory_space<hbm>>)
    return
  }
}

</mosaic_0001>

<sc_bundles>
// kernel: kernel.3.cloned.1.call-start
scs
__scs_entry_jumppad:
0x0: {  	(pc) =	sbr.rel $0x88, $3  }
0x1: {  	(tag) =	ssettag $0x0;
	lr =	simm.s32 $0x1  }
0x2: {  	[smem:$0x3F9E] =	sst lr;
	_ =	strace $0xD0000000  }
0x3: {  	_ = 	snop  }
0x4: {  	_ = 	snop  }
0x5: {  	_ = 	snop  }
0x6: {  	_ = 	snop  }
0x7: {  	_ = 	snop  }
__scs_overlays_trampoline_lowered:
0x8: {  	[smem:$0x3FAD] =	sst s0  }
0x9: {  	[smem:$0x3FAE] =	sst s1  }
0xa: {  	[smem:$0x3FAF] =	sst s2  }
0xb: {  	[smem:$0x3FB0] =	sst s3  }
0xc: {  	[smem:$0x3FB1] =	sst s4  }
0xd: {  	[smem:$0x3FB2] =	sst s5  }
0xe: {  	[smem:$0x3FB3] =	sst s6  }
0xf: {  	[smem:$0x3FB4] =	sst s7  }
0x10: {  	[smem:$0x3FB5] =	sst s8  }
0x11: {  	[smem:$0x3FB6] =	sst s9;
	s0 =	simm.s32 @!p0 $0x0  }
0x12: {  	s1 =	sld [smem:$0x3F9C];
	s0 =	simm.s32 @p0 $0x1  }
0x13: {  	[smem:$0x3FB7] =	sst s0;
	s0 =	simm.s32 @!p1 $0x0  }
0x14: {  	s2 =	sld [smem:$0x3F9B];
	s0 =	simm.s32 @p1 $0x1  }
0x15: {  	[smem:$0x3FB8] =	sst s0;
	s0 =	simm.s32 @!p2 $0x0  }
0x16: {  	s3 =	sld [smem:$0x3FDB];
	s0 =	simm.s32 @p2 $0x1  }
0x17: {  	s4 =	simm.s32 $0x1BF5;
	[smem:$0x3FBA] =	sst s0  }
0x18: {  	s0 =	sld [smem:$0x3F9D];
	_ =	swait.ge [sflag:s4], $0x0  }
0x19: {  	s7 =	sld [smem:$0x3F9E]  }
0x1a: {  	s8 =	sadd.s32 $0xFFFFE003, lr  }
0x1b: {  	s9 =	sadd.s32 $0xFFFFFEF7, lr;
	s5 =	simm.s32 $0xFFFFFFFF;
	p2 =	slt.u32 s8, $0xFFFFF086  }
0x1c: {  	p1 =	slt.u32 s9, $0xF7A;
	s5 =	simm.s32 @!p2 $0x0  }
0x1d: {  	s5 =	simm.s32 @p1 $0x1;
	p0 =	seq.s32 s7, s2  }
0x1e: {  	s7 =	smul.u32 @!p0 $0xF7A, s2;
	p2 =	seq.s32 @!p0 s5, $0x0  }
0x1f: {  	s9 =	smul.u32 $0xF7A, s1;
	s8 =	simm.s32 @!p0 $0x1BF5;
	p2 =	por !p2, p0  }
0x20: {  	[sflag:s8] =	ssyncset.s32 @!p0 $0xFFFFF086;
	s6 =	sadd.s32 @!p0 s3, s7;
	s7 =	simm.s32 @!p0 $0x108  }
0x21: {  	s3 =	sadd.s32 s3, s9;
	s6 =	sadd.s32 @!p0 $0x88, s6;
	s7 =	simm.s32 @p2 $0x1082  }
0x22: {  	[simem:s7], [sflag:s8] =	dma.local @!p0 [hbm:s6], $0xF7A  }
0x23: {  	s9 =	sor.u32 $0xD0000000, s2;
	s6 =	simm.s32 $0x108;
	_ =	swait.ge @!p0 [sflag:s8], $0x0  }
0x24: {  	s3 =	sadd.s32 $0x88, s3;
	s6 =	simm.s32 @!p1 $0x1082;
	[sflag:s4] =	ssyncset.s32 $0xFFFFF086  }
0x25: {  	[simem:s6], [sflag:s4] =	dma.local [hbm:s3], $0xF7A  }
0x26: {  	[smem:$0x3F9E] =	sst s1;
	(tag) =	ssettag s2;
	_ =	strace s9  }
0x27: {  	s1 =	sld [smem:$0x3FAE]  }
0x28: {  	s2 =	sld [smem:$0x3FAF]  }
0x29: {  	s4 =	sld [smem:$0x3FB1]  }
0x2a: {  	p0 =	seq.s32 s5, $0x0;
	s5 =	sld [smem:$0x3FB2]  }
0x2b: {  	s6 =	sld [smem:$0x3FB3]  }
0x2c: {  	s7 =	sld [smem:$0x3FB4]  }
0x2d: {  	s3 =	simm.s32 $0x108;
	s8 =	sld [smem:$0x3FB5]  }
0x2e: {  	s3 =	simm.s32 @!p0 $0x1082;
	s9 =	sld [smem:$0x3FB6]  }
0x2f: {  	lr =	sadd.s32 s0, s3;
	s0 =	sld [smem:$0x3FAD]  }
0x30: {  	s3 =	sld [smem:$0x3FB0]  }
0x31: {  	[smem:$0x3FB9] =	sst s10  }
0x32: {  	s10 =	sld [smem:$0x3FB7];
	_ =	sdelay $0x3  }
0x33: {  	p0 =	seq.s32 s10, $0x1;
	s10 =	sld [smem:$0x3FB9];
	_ =	sdelay $0x3  }
0x34: {  	[smem:$0x3FB9] =	sst s10  }
0x35: {  	s10 =	sld [smem:$0x3FB8];
	_ =	sdelay $0x3  }
0x36: {  	p1 =	seq.s32 s10, $0x1;
	s10 =	sld [smem:$0x3FB9];
	_ =	sdelay $0x3  }
0x37: {  	[smem:$0x3FB9] =	sst s10  }
0x38: {  	s10 =	sld [smem:$0x3FBA]  }
0x39: {  	_ = 	snop;
	(pc) =	sbr.ind lr, $3  }
0x3a: {  	_ = 	snop  }
0x3b: {  	_ = 	snop  }
0x3c: {  	p2 =	seq.s32 s10, $0x1;
	s10 =	sld [smem:$0x3FB9]  }
0x3d: {  	_ =	shalt  }
0x3e: {  	_ =	shalt  }
0x3f: {  	_ =	shalt  }
0x40: {  	_ =	shalt  }
0x41: {  	_ =	shalt  }
0x42: {  	_ =	shalt  }
0x43: {  	_ =	shalt  }
0x44: {  	_ =	shalt  }
0x45: {  	_ =	shalt  }
0x46: {  	_ =	shalt  }
0x47: {  	_ =	shalt  }
0x48: {  	_ =	shalt  }
0x49: {  	_ =	shalt  }
0x4a: {  	_ =	shalt  }
0x4b: {  	_ =	shalt  }
0x4c: {  	_ =	shalt  }
0x4d: {  	_ =	shalt  }
0x4e: {  	_ =	shalt  }
0x4f: {  	_ =	shalt  }
0x50: {  	_ =	shalt  }
0x51: {  	_ =	shalt  }
0x52: {  	_ =	shalt  }
0x53: {  	_ =	shalt  }
0x54: {  	_ =	shalt  }
0x55: {  	_ =	shalt  }
0x56: {  	_ =	shalt  }
0x57: {  	_ =	shalt  }
0x58: {  	_ =	shalt  }
0x59: {  	_ =	shalt  }
0x5a: {  	_ =	shalt  }
0x5b: {  	_ =	shalt  }
0x5c: {  	_ =	shalt  }
0x5d: {  	_ =	shalt  }
0x5e: {  	_ =	shalt  }
0x5f: {  	_ =	shalt  }
0x60: {  	_ =	shalt  }
0x61: {  	_ =	shalt  }
0x62: {  	_ =	shalt  }
0x63: {  	_ =	shalt  }
0x64: {  	_ =	shalt  }
0x65: {  	_ =	shalt  }
0x66: {  	_ =	shalt  }
0x67: {  	_ =	shalt  }
0x68: {  	_ =	shalt  }
0x69: {  	_ =	shalt  }
0x6a: {  	_ =	shalt  }
0x6b: {  	_ =	shalt  }
0x6c: {  	_ =	shalt  }
0x6d: {  	_ =	shalt  }
0x6e: {  	_ =	shalt  }
0x6f: {  	_ =	shalt  }
0x70: {  	_ =	shalt  }
0x71: {  	_ =	shalt  }
0x72: {  	_ =	shalt  }
0x73: {  	_ =	shalt  }
0x74: {  	_ =	shalt  }
0x75: {  	_ =	shalt  }
0x76: {  	_ =	shalt  }
0x77: {  	_ =	shalt  }
0x78: {  	_ =	shalt  }
0x79: {  	_ =	shalt  }
0x7a: {  	_ =	shalt  }
0x7b: {  	_ =	shalt  }
0x7c: {  	_ =	shalt  }
0x7d: {  	_ =	shalt  }
0x7e: {  	_ =	shalt  }
0x7f: {  	_ =	shalt  }
0x80: {  	_ =	shalt  }
0x81: {  	_ =	shalt  }
0x82: {  	_ =	shalt  }
0x83: {  	_ =	shalt  }
0x84: {  	_ =	shalt  }
0x85: {  	_ =	shalt  }
0x86: {  	_ =	shalt  }
0x87: {  	_ =	shalt  }
.Lfunc_end0:
.L_simem_size_0:
called_computation_lowered:
.L_overlay_start_0:
0x88: {  	s2 =	sld [smem:$0x3FD9]  }
0x89: {  	s3 =	sld [smem:$0x3FFE];
	_ =	sdelay $0x1  }
0x8a: {  	s1 =	srdreg.scid  }
0x8b: {  	s0 =	sand.u32 $0x1, s1  }
0x8c: {  	s17 =	sshll.u32 s0, $0xA;
	s2 =	sadd.s32 s3, s2  }
0x8d: {  	s2 =	sadd.s32 s2, s17  }
0x8e: {  	[smem:$0x3FC5] =	sst s2  }
0x8f: {  	_ = 	snop  }
0x90: {  	s2 =	sld [smem:$0x3FC9]  }
0x91: {  	s18 =	sld [smem:$0x3FC8]  }
0x92: {  	s4 =	sld [smem:$0x3FD0];
	(tm) =	ssettm $0x1  }
0x93: {  	s5 =	sld [smem:$0x3FFB];
	_ =	sdelay $0x3  }
0x94: {  	_ =	strace s5  }
0x95: {  	s5 =	sld [smem:$0x3FFC];
	_ =	sdelay $0x3  }
0x96: {  	_ =	strace s5  }
0x97: {  	s5 =	sld [smem:$0x3FFD];
	_ =	sdelay $0x3  }
0x98: {  	_ =	strace s5  }
0x99: {  	_ =	strace $0x8FFFFFFF  }
0x9a: {  	s19 =	sld [smem:$0x3FDB];
	_ =	sdelay $0x1  }
0x9b: {  	s6 =	simm.s32 $_scs_section_size  }
0x9c: {  	s7 =	simm.s32 $_size__tile_overlayer_lowered;
	s8 =	simm.s32 $_tile_overlayer_lowered  }
0x9d: {  	s22 =	simm.s32 $0x1BFF;
	s21 =	sshll.u32 s8, $0x1;
	s5 =	sadd.s32 s6, s19  }
0x9e: {  	s9 =	simm.s32 $0x0;
	s20 =	sshll.u32 s7, $0x1;
	s7 =	sadd.s32 s21, s5  }
0x9f: {  	[timem:s9], [sflag:s22] =	dma.local [hbm:s7], s20  }
0xa0: {  	_ =	swait.ge [sflag:s22], s20  }
0xa1: {  	s6 =	ssub.s32 $0x0, s20;
	[sflag:s22] =	ssyncset.done $0x0  }
0xa2: {  	[sflag:s22] =	ssyncadd.s32 s6;
	_ =	sdelay $0x1  }
0xa3: {  	s23 =	simm.s32 $0x1B8B  }
0xa4: {  	_ =	swait.ge [sflag:s23], $0x1  }
0xa5: {  	[sflag:s23] =	ssyncset.done $0x0  }
0xa6: {  	s25 =	simm.s32 $0x1B8E;
	s24 =	sld [smem:$0x3FFE];
	[sflag:s23] =	ssyncadd.s32 $0xFFFFFFFF  }
0xa7: {  	s26 =	simm.s32 $execute0_lowered;
	[smem:$0x3FD2] =	sst s25  }
0xa8: {  	s7 =	sshll.u32 s26, $0x1;
	_ =	strace $0x80000046;
	[dreg:$0x1] =	wrdreg $0xFFFFFFFF  }
0xa9: {  	s28 =	simm.s32 $_size_execute0_lowered;
	s5 =	sadd.s32 s5, s7;
	[dreg:$0x0] =	wrdreg $0x0  }
0xaa: {  	s7 =	sshll.u32 s28, $0x1;
	[dreg:$0x2] =	wrdreg s5  }
0xab: {  	[dreg:$0x3] =	wrdreg s7  }
0xac: {  	[dreg:$0x4] =	wrdreg $0xC0  }
0xad: {  	_ =	task [dreg:s9], $0x5FFFF  }
0xae: {  	[dreg:$0x1] =	wrdreg $0xFFFFFFFF  }
0xaf: {  	[dreg:$0x0] =	wrdreg $0x60  }
0xb0: {  	[dreg:$0x2] =	wrdreg s2  }
0xb1: {  	[dreg:$0x3] =	wrdreg s18  }
0xb2: {  	[dreg:$0x4] =	wrdreg s24  }
0xb3: {  	[dreg:$0x5] =	wrdreg s4  }
0xb4: {  	[dreg:$0x6] =	wrdreg $0x9  }
0xb5: {  	_ =	task.clear_ibuf [dreg:s9], $0x7FFFF;
	_ =	strace $0x90000046  }
0xb6: {  	s29 =	simm.s32 $0x9;
	_ =	strace $0x80000048  }
0xb7: {  	_ =	swait.ge [sflag:s29], $0x1  }
0xb8: {  	[sflag:s29] =	ssyncadd.s32 $0xFFFFFFFF  }
0xb9: {  	_ =	strace $0x90000048  }
0xba: {  	_ =	sfence  }
0xbb: {  	s30 =	sld [smem:$0x0];
	_ =	sdelay $0x2  }
0xbc: {  	s31 =	sshll.u32 s1, $0xD;
	s1 =	sshrl.u32 s1, $0x2  }
0xbd: {  	s3 =	sand.u32 $0x4000, s31;
	s1 =	sadd.s32 s1, s30  }
0xbe: {  	s0 =	sor.u32 s3, s0;
	s1 =	sshll.u32 s1, $0x11  }
0xbf: {  	s0 =	sor.u32 s1, s0  }
0xc0: {  	s0 =	sadd.s32 $0x8F2B, s0  }
0xc1: {  	[sflag:s0] =	ssyncadd.remote.s32 $0x1  }
0xc2: {  	_ =	sfence.sel $0xFFFF  }
0xc3: {  	[dreg:$0x0] =	wrdreg $0xFFFFFFFF;
	(pc) =	sbr.abs _section_cstart, $3  }
0xc4: {  	[dreg:$0x1] =	wrdreg $0xFFFFFFFF  }
0xc5: {  	_ =	task.clear_ibuf [dreg:s9], $0x2FFFF;
	_ =	strace $0x9FFFFFFF  }
0xc6: {  	(tm) =	ssettm $0x7FFFFFFF  }
0xc7: {  	_ =	shalt  }
tec
execute0_lowered:
.L_overlay_start_1:
0x0: {  	(tag) =	ssettag $0x1  }
0x1: {  	s0 =	rddreg [dreg:$0x0]  }
0x2: {  	s1 =	rddreg [dreg:$0x2]  }
0x3: {  	s5 =	rddreg [dreg:$0x3]  }
0x4: {  	s2 =	srdreg.scid;
	s3 =	stileid.u32  }
0x5: {  	s6 =	simm.s32 $0x0;
	s2 =	sand.u32 $0x1, s2;
	s3 =	sshll.u32 s3, $0x13  }
0x6: {  	[smem:$0x7FF] =	sst s6;
	s20 =	sadd.s32 $0x400, s1;
	s26 =	sadd.s32 $0x40, s5  }
0x7: {  	s4 =	sshll.u32 s2, $0x12;
	_ =	strace $0x80000047;
	[dreg:$0x7] =	wrdreg s20  }
0x8: {  	[dreg:$0xc] =	wrdreg s26;
	s4 =	sor.u32 s4, s3  }
0x9: {  	s16 =	simm.s32 $0x0;
	s19 =	sadd.s32 s0, s4;
	[dreg:$0x5] =	wrdreg s4  }
0xa: {  	s1 =	simm.s32 $0x200;
	s31 =	sor.u32 $0x800, s4;
	[dreg:$0x6] =	wrdreg s19  }
0xb: {  	s2 =	ssub.s32 $0x2, s2;
	s22 =	sadd.s32 $0x40, s19;
	[dreg:$0x11] =	wrdreg s31  }
0xc: {  	s20 =	simm.s32 $0x1080;
	s23 =	sadd.s32 $0x800, s19;
	[dreg:$0x8] =	wrdreg s22  }
0xd: {  	s18 =	sshrl.u32 s2, $0x1;
	s24 =	sadd.s32 $0x840, s19;
	[dreg:$0x9] =	wrdreg s23  }
0xe: {  	s3 =	simm.s32 $0x0;
	s25 =	sadd.s32 $0x1000, s19;
	[dreg:$0xa] =	wrdreg s24  }
.Ltmp0:
0xf: {  	s28 =	sadd.s32 $0x1040, s19;
	[dreg:$0xb] =	wrdreg s25;
	(pc) =	sbr.rel .LBB2_1-.Ltmp0, $4  }
0x10: {  	s21 =	ssub.s32 s2, s18;
	s29 =	sadd.s32 $0x1800, s19;
	[dreg:$0xd] =	wrdreg s28  }
0x11: {  	s30 =	sadd.s32 $0x1840, s19;
	s0 =	smax.u32 s21, $0x1;
	[dreg:$0xe] =	wrdreg s29  }
0x12: {  	s19 =	simm.s32 $0x400;
	s21 =	simm.s32 $0x3080;
	[dreg:$0xf] =	wrdreg s30  }
0x13: {  	v0 =	vlaneseq.u32;
	[dreg:$0x10] =	wrdreg s0;
	s22 =	simm.s32 $0x5080;
	s23 =	simm.s32 $0x7080  }
.LBB2_26:
0x14: {  	s0 =	simm.s32 $0x5  }
0x15: {  	_ =	swait.ge [sflag:s0], $0x2000  }
0x16: {  	[sflag:s0] =	ssyncset.done $0x0  }
0x17: {  	s29 =	simm.s32 $0x6;
	[sflag:s0] =	ssyncadd.s32 $0xFFFFE000  }
0x18: {  	_ =	swait.ge [sflag:s29], $0x2000  }
0x19: {  	[sflag:s29] =	ssyncset.done $0x0  }
0x1a: {  	s30 =	simm.s32 $0x7;
	[sflag:s29] =	ssyncadd.s32 $0xFFFFE000  }
0x1b: {  	_ =	swait.ge [sflag:s30], $0x2000  }
0x1c: {  	[sflag:s30] =	ssyncset.done $0x0  }
0x1d: {  	s2 =	simm.s32 $0x8;
	[sflag:s30] =	ssyncadd.s32 $0xFFFFE000  }
0x1e: {  	_ =	swait.ge [sflag:s2], $0x2000  }
0x1f: {  	s3 =	rddreg [dreg:$0x12]  }
0x20: {  	s31 =	rddreg [dreg:$0x10];
	s3 =	sadd.s32 $0x1, s3  }
0x21: {  	p0 =	sne.s32 s3, s31  }
.Ltmp1:
0x22: {  	_ = 	snop;
	(pc) =	sbr.rel @!p0 .LBB2_27-.Ltmp1, $3  }
0x23: {  	_ =	sdelay $0x1  }
0x24: {  	[sflag:s2] =	ssyncset.done $0x0  }
0x25: {  	[sflag:s2] =	ssyncadd.s32 $0xFFFFE000  }
.LBB2_1:
0x26: {  	[dreg:$0x12] =	wrdreg s3  }
0x27: {  	s0 =	rddreg [dreg:$0x6]  }
0x28: {  	[tilespmem:s20], [sflag:$0x1] =	stream.strided.gather [hbm4b:s0+s1], $0x2000, s19, s1, $0x38;
	[tilespmem:$0x11080] =	vst v63  }
0x29: {  	s17 =	rddreg [dreg:$0x8]  }
0x2a: {  	[tilespmem:s21], [sflag:$0x2] =	stream.strided.gather [hbm4b:s17+s1], $0x2000, s19, s1, $0x38;
	[tilespmem:$0x11080] =	vst v63  }
0x2b: {  	s18 =	rddreg [dreg:$0x9]  }
0x2c: {  	[tilespmem:s22], [sflag:$0x3] =	stream.strided.gather [hbm4b:s18+s1], $0x2000, s19, s1, $0x38;
	[tilespmem:$0x11080] =	vst v63  }
0x2d: {  	s24 =	rddreg [dreg:$0xa]  }
0x2e: {  	[tilespmem:s23], [sflag:$0x4] =	stream.strided.gather [hbm4b:s24+s1], $0x2000, s19, s1, $0x38;
	[tilespmem:$0x11080] =	vst v63  }
0x2f: {  	s25 =	rddreg [dreg:$0x1];
	s2 =	simm.s32 $0x0;
	s26 =	simm.s32 $0x9  }
0x30: {  	[tilespmem:s2], [sflag:$0x9] =	stream.linear.gather [hbm4b:s25+s2], $0x800, $0x38;
	[tilespmem:$0x11080] =	vst v63  }
0x31: {  	_ =	swait.ge [sflag:s26], $0x800  }
0x32: {  	[sflag:s26] =	ssyncset.done $0x0  }
0x33: {  	s29 =	simm.s32 $0x1000;
	s28 =	rddreg [dreg:$0x7];
	[sflag:s26] =	ssyncadd.s32 $0xFFFFF800  }
0x34: {  	[tilespmem:s29], [sflag:$0x9] =	stream.linear.gather [hbm4b:s28+s2], $0x80, $0x38;
	[tilespmem:$0x11080] =	vst v63  }
0x35: {  	_ =	swait.ge [sflag:s26], $0x80  }
0x36: {  	[sflag:s26] =	ssyncset.done $0x0  }
0x37: {  	[sflag:s26] =	ssyncadd.s32 $0xFFFFFF80  }
0x38: {  	v1 =	vld [tilespmem:$0x1000];
	_ =	sdelay $0x4  }
0x39: {  	v1 =	vadd.s32 v0, v1  }
0x3a: {  	v2 =	vadd.s32 s2, v1  }
0x3b: {  	v2 =	vand.u32 $0x7FF, v2;
	_ =	sdelay $0x3  }
0x3c: {  	s30 =	simm.s32 $0x10  }
0x3d: {  	v3 =	vadd.s32 s30, v1;
	v2 =	vld.idx.msk [tilespmem:v2+s2+$0x0], $0xffff  }
0x3e: {  	v3 =	vand.u32 $0x7FF, v3;
	_ =	sdelay $0x2  }
0x3f: {  	s1 =	simm.s32 $0x800  }
0x40: {  	s31 =	simm.s32 $0x20;
	[tilespmem:s1+$0x0] =	vst v2  }
0x41: {  	v2 =	vld.idx.msk [tilespmem:v3+s2+$0x0], $0xffff;
	v3 =	vadd.s32 s31, v1;
	s2 =	simm.s32 $0x30  }
.LBB2_2:
0x42: {  	p0 =	sne.s32 s2, $0x7F0;
	v3 =	vand.u32 $0x7FF, v3;
	_ =	sdelay $0x1  }
.Ltmp2:
0x43: {  	(pc) =	sbr.rel @p0 .LBB2_2-.Ltmp2, $4  }
0x44: {  	s1 =	sadd.s32 $0x10, s1  }
0x45: {  	[tilespmem:s1+$0x0] =	vst v2  }
0x46: {  	v2 =	vld.idx.msk [tilespmem:v3+s16+$0x0], $0xffff  }
0x47: {  	v3 =	vadd.s32 s2, v1;
	s2 =	sadd.s32 $0x10, s2  }
0x48: {  	v1 =	vand.u32 $0x7FF, v3;
	_ =	sdelay $0x2  }
0x49: {  	s0 =	sadd.s32 $0x10, s1  }
0x4a: {  	[tilespmem:s0+$0x0] =	vst v2  }
0x4b: {  	v1 =	vld.idx.msk [tilespmem:v1+s16+$0x0], $0xffff;
	_ =	sdelay $0x3  }
0x4c: {  	s0 =	sadd.s32 $0x10, s0  }
0x4d: {  	s6 =	simm.s32 $0x0;
	[tilespmem:s0+$0x0] =	vst v1  }
.LBB2_4:
0x4e: {  	s0 =	simm.s32 $0x1  }
0x4f: {  	_ =	swait.ge [sflag:s0], $0x2000  }
0x50: {  	p0 =	seq.s32 s6, $0x0;
	[sflag:s0] =	ssyncset.done $0x0  }
0x51: {  	[sflag:s0] =	ssyncadd.s32 $0xFFFFE000;
	s0 =	simm.s32 @!p0 $0x5  }
0x52: {  	s3 =	sand.u32 $0x40, s16;
	s1 =	sand.u32 $0x780, s16;
	_ =	swait.ge @!p0 [sflag:s0], $0x2000  }
0x53: {  	s1 =	sor.u32 $0x800, s1;
	s4 =	sor.u32 $0x30, s3;
	[sflag:s0] =	ssyncset.done @!p0 $0x0  }
0x54: {  	s15 =	sor.u32 s4, s1;
	[sflag:s0] =	ssyncadd.s32 @!p0 $0xFFFFE000  }
0x55: {  	s17 =	sor.u32 $0x10, s3;
	v1 =	vld [tilespmem:s15+$0x0]  }
0x56: {  	s5 =	sor.u32 $0x20, s3;
	s2 =	sor.u32 s17, s1  }
0x57: {  	s1 =	sor.u32 s5, s1;
	v2 =	vld [tilespmem:s2+$0x0]  }
0x58: {  	v3 =	vld [tilespmem:s1+$0x0];
	_ =	sdelay $0x1  }
0x59: {  	v4 =	vshll.u32 v1, $0x2  }
0x5a: {  	v1 =	vand.u32 $0x7F, v1;
	v4 =	vand.u32 $0xFFFFFE00, v4  }
0x5b: {  	v1 =	vor.u32 v1, v4;
	v4 =	vshll.u32 v2, $0x2  }
0x5c: {  	v5 =	vshll.u32 v3, $0x2;
	v2 =	vand.u32 $0x7F, v2;
	v4 =	vand.u32 $0xFFFFFE00, v4  }
0x5d: {  	v3 =	vand.u32 $0x7F, v3;
	v2 =	vor.u32 v2, v4;
	v4 =	vand.u32 $0xFFFFFE00, v5  }
0x5e: {  	v3 =	vor.u32 v3, v4;
	_ =	sdelay $0x1  }
0x5f: {  	s7 =	simm.s32 $0x0;
	s8 =	simm.s32 $0x40;
	v4 =	vld.idx.msk [tilespmem:v1+s20+$0x0], $0xffff  }
0x60: {  	s1 =	sand.u32 $0x40, s8;
	s8 =	sand.u32 $0x780, s8;
	v7 =	vld [tilespmem:s7+$0x800];
	v5 =	vor.u32 $0x80, v1  }
0x61: {  	s18 =	sand.u32 $0x1E00, s16;
	s10 =	sor.u32 $0x800, s8;
	s9 =	sor.u32 $0x30, s1;
	v6 =	vld.idx.msk [tilespmem:v2+s20+$0x0], $0xffff  }
0x62: {  	s24 =	sadd.s32 $0x9080, s18;
	s8 =	sor.u32 s9, s10;
	v8 =	vld.idx.msk [tilespmem:v3+s20+$0x0], $0xffff  }
0x63: {  	s25 =	sor.u32 s4, s24;
	v10 =	vld [tilespmem:s8+$0x0];
	v9 =	vor.u32 $0x80, v3  }
0x64: {  	s4 =	sor.u32 $0x10, s1;
	[tilespmem:s25+$0x0] =	vst v4  }
0x65: {  	s0 =	sor.u32 s17, s24;
	s11 =	sor.u32 s4, s10;
	s8 =	sor.u32 $0x20, s1;
	v12 =	vshll.u32 v7, $0x2;
	v4 =	vor.u32 $0x80, v2;
	v5 =	vld.idx.msk [tilespmem:v5+s20+$0x0], $0xffff  }
0x66: {  	s26 =	sor.u32 s5, s24;
	v11 =	vld [tilespmem:s11+$0x0];
	s10 =	sor.u32 s8, s10;
	v7 =	vand.u32 $0x7F, v7;
	v12 =	vand.u32 $0xFFFFFE00, v12;
	v13 =	vor.u32 $0x100, v1;
	[tilespmem:s0+$0x0] =	vst v6  }
0x67: {  	v14 =	vld [tilespmem:s10+$0x0];
	v6 =	vor.u32 v7, v12;
	[tilespmem:s26+$0x0] =	vst v8  }
0x68: {  	v12 =	vshll.u32 v10, $0x2;
	v9 =	vld.idx.msk [tilespmem:v9+s20+$0x0], $0xffff  }
0x69: {  	v10 =	vand.u32 $0x7F, v10;
	v8 =	vor.u32 $0x100, v3;
	v12 =	vand.u32 $0xFFFFFE00, v12  }
0x6a: {  	p1 =	por $0x0, $0x0;
	s5 =	simm.s32 $0x1;
	v10 =	vor.u32 v10, v12;
	v4 =	vld.idx.msk [tilespmem:v4+s20+$0x0], $0xffff;
	[tilespmem:s25+$0x80] =	vst v5  }
0x6b: {  	s5 =	simm.s32 @!p1 $0x0;
	v7 =	vor.u32 $0x100, v2;
	v13 =	vld.idx.msk [tilespmem:v13+s20+$0x0], $0xffff  }
0x6c: {  	s5 =	sshll.u32 s5, $0x6;
	v1 =	vor.u32 $0x180, v1;
	v5 =	vshll.u32 v11, $0x2;
	v15 =	vld.idx.msk [tilespmem:v6+s20+$0x0], $0xffff  }
0x6d: {  	s5 =	sadd.s32 $0x0, s5;
	v12 =	vshll.u32 v14, $0x2;
	v11 =	vand.u32 $0x7F, v11;
	v5 =	vand.u32 $0xFFFFFE00, v5;
	[tilespmem:s26+$0x80] =	vst v9  }
0x6e: {  	s12 =	sadd.s32 $0x30, s5;
	v12 =	vand.u32 $0xFFFFFE00, v12;
	v5 =	vor.u32 v11, v5;
	v11 =	vand.u32 $0x7F, v14;
	v8 =	vld.idx.msk [tilespmem:v8+s20+$0x0], $0xffff  }
0x6f: {  	s18 =	simm.s32 $0x40;
	s15 =	sor.u32 $0x100, s12;
	[tilespmem:s0+$0x80] =	vst v4;
	v4 =	vor.u32 v11, v12;
	v11 =	vld.idx.msk [tilespmem:v10+s20+$0x0], $0xffff  }
0x70: {  	s3 =	sor.u32 s3, s24;
	s17 =	simm.s32 $0x100;
	s25 =	simm.s32 $0x80;
	v9 =	vor.u32 $0x80, v6;
	v7 =	vld.idx.msk [tilespmem:v7+s20+$0x0], $0xffff;
	[tilespmem:s15+$0x9080] =	vst v13  }
0x71: {  	s24 =	sand.u32 $0x40, s25;
	s26 =	sand.u32 $0x780, s25;
	s0 =	sand.u32 $0x1E00, s17;
	[tilespmem:s3+$0x0] =	vst v15;
	v15 =	vld [tilespmem:s18+$0x800]  }
0x72: {  	s10 =	sor.u32 $0x30, s24;
	s2 =	sadd.s32 $0x9080, s0;
	s0 =	sor.u32 $0x800, s26;
	v12 =	vld.idx.msk [tilespmem:v1+s20+$0x0], $0xffff  }
0x73: {  	s13 =	sor.u32 s10, s0;
	v1 =	vor.u32 $0x80, v10;
	v13 =	vld.idx.msk [tilespmem:v5+s20+$0x0], $0xffff  }
0x74: {  	v2 =	vor.u32 $0x180, v2;
	v17 =	vld [tilespmem:s13+$0x0]  }
0x75: {  	s14 =	sadd.s32 $0x10, s5;
	s11 =	sor.u32 $0x10, s24;
	s9 =	sor.u32 s9, s2;
	v9 =	vld.idx.msk [tilespmem:v9+s20+$0x0], $0xffff  }
0x76: {  	s15 =	sor.u32 $0x100, s14;
	s17 =	sor.u32 s11, s0;
	v14 =	vld.idx.msk [tilespmem:v4+s20+$0x0], $0xffff;
	[tilespmem:s9+$0x0] =	vst v11;
	v11 =	vor.u32 $0x80, v5  }
0x77: {  	v16 =	vor.u32 $0x80, v4;
	[tilespmem:s15+$0x9080] =	vst v7;
	v7 =	vld [tilespmem:s17+$0x0]  }
0x78: {  	v18 =	vor.u32 $0x100, v6;
	s13 =	sor.u32 $0x20, s24;
	v1 =	vld.idx.msk [tilespmem:v1+s20+$0x0], $0xffff  }
0x79: {  	v20 =	vor.u32 $0x100, v10;
	s0 =	sor.u32 s13, s0;
	s15 =	sor.u32 s4, s2;
	v19 =	vld.idx.msk [tilespmem:v2+s20+$0x0], $0xffff;
	v2 =	vshll.u32 v15, $0x2  }
0x7a: {  	v3 =	vor.u32 $0x180, v3;
	s8 =	sor.u32 s8, s2;
	v21 =	vld [tilespmem:s0+$0x0];
	v15 =	vand.u32 $0x7F, v15;
	v2 =	vand.u32 $0xFFFFFE00, v2;
	[tilespmem:s15+$0x0] =	vst v13  }
0x7b: {  	v13 =	vor.u32 v15, v2;
	v2 =	vld.idx.msk [tilespmem:v11+s20+$0x0], $0xffff;
	[tilespmem:s8+$0x0] =	vst v14  }
0x7c: {  	s0 =	sadd.s32 $0x20, s5;
	v15 =	vor.u32 $0x100, v4;
	[tilespmem:s3+$0x80] =	vst v9;
	v9 =	vshll.u32 v17, $0x2;
	v11 =	vor.u32 $0x100, v5;
	v16 =	vld.idx.msk [tilespmem:v16+s20+$0x0], $0xffff  }
0x7d: {  	p1 =	por !p1, !p1;
	s4 =	sor.u32 $0x100, s0;
	s17 =	simm.s32 $0x1;
	v22 =	vld.idx.msk [tilespmem:v18+s20+$0x0], $0xffff;
	v14 =	vand.u32 $0x7F, v17;
	v9 =	vand.u32 $0xFFFFFE00, v9;
	[tilespmem:s9+$0x80] =	vst v1;
	v1 =	vshll.u32 v7, $0x2  }
0x7e: {  	s12 =	sor.u32 $0x180, s12;
	s26 =	sor.u32 $0x180, s14;
	[tilespmem:s4+$0x9080] =	vst v8;
	s17 =	simm.s32 @!p1 $0x0;
	v8 =	vld.idx.msk [tilespmem:v20+s20+$0x0], $0xffff;
	v17 =	vand.u32 $0xFFFFFE00, v1;
	v1 =	vor.u32 v14, v9  }
0x7f: {  	s14 =	sor.u32 $0x180, s5;
	s25 =	sshll.u32 s17, $0x6;
	s18 =	rddreg [dreg:$0x5];
	[tilespmem:s12+$0x9080] =	vst v12;
	v9 =	vshll.u32 v21, $0x2;
	v20 =	vld.idx.msk [tilespmem:v3+s20+$0x0], $0xffff;
	v3 =	vand.u32 $0x7F, v7;
	v7 =	vor.u32 $0x180, v10  }
0x80: {  	s1 =	sor.u32 s1, s2;
	s0 =	sor.u32 $0x180, s0;
	s3 =	sadd.s32 $0x100, s25;
	v23 =	vld.idx.msk [tilespmem:v13+s20+$0x0], $0xffff;
	v9 =	vand.u32 $0xFFFFFE00, v9;
	v24 =	vor.u32 v3, v17;
	v3 =	vand.u32 $0x7F, v21;
	[tilespmem:s15+$0x80] =	vst v2  }
0x81: {  	s17 =	sor.u32 $0x100, s5;
	s30 =	sadd.s32 $0x30, s3;
	s9 =	sshll.u32 s6, $0xC;
	v21 =	vor.u32 v3, v9;
	v14 =	vld.idx.msk [tilespmem:v11+s20+$0x0], $0xffff;
	[tilespmem:s8+$0x80] =	vst v16  }
0x82: {  	v4 =	vor.u32 $0x180, v4;
	s25 =	sadd.s32 $0x20, s3;
	[tilespmem:s26+$0x9080] =	vst v19;
	s4 =	sor.u32 s18, s9;
	s18 =	sor.u32 $0x100, s30;
	v15 =	vld.idx.msk [tilespmem:v15+s20+$0x0], $0xffff  }
0x83: {  	v5 =	vor.u32 $0x180, v5;
	s31 =	sor.u32 $0x100, s3;
	s28 =	sor.u32 $0x180, s25;
	s12 =	sadd.s32 $0x10, s3;
	v10 =	vor.u32 $0x80, v13;
	v2 =	vor.u32 $0x180, v6;
	v18 =	vld.idx.msk [tilespmem:v1+s20+$0x0], $0xffff;
	[tilespmem:s18+$0x9080] =	vst v8  }
0x84: {  	s26 =	sor.u32 $0x100, s25;
	s3 =	sor.u32 $0x180, s3;
	s15 =	simm.s32 $0x8;
	v6 =	vor.u32 $0x100, v13;
	[tilespmem:s17+$0x9080] =	vst v22;
	v3 =	vor.u32 $0x180, v13;
	v11 =	vor.u32 $0x80, v24;
	v17 =	vld.idx.msk [tilespmem:v7+s20+$0x0], $0xffff  }
0x85: {  	s7 =	sor.u32 $0x100, s12;
	s5 =	sor.u32 $0x180, s12;
	v12 =	vor.u32 $0x180, v24;
	s8 =	simm.s32 $0x200;
	v13 =	vor.u32 $0x80, v21;
	[tilespmem:s0+$0x9080] =	vst v20;
	v20 =	vor.u32 $0x80, v1;
	v16 =	vld.idx.msk [tilespmem:v24+s20+$0x0], $0xffff  }
0x86: {  	s17 =	simm.s32 $0xC0;
	v9 =	vor.u32 $0x180, v21;
	s29 =	sand.u32 $0x1E00, s8;
	v8 =	vor.u32 $0x100, v21;
	[tilespmem:s1+$0x0] =	vst v23;
	s0 =	simm.s32 $0x80;
	v7 =	vor.u32 $0x100, v24;
	v19 =	vld.idx.msk [tilespmem:v21+s20+$0x0], $0xffff  }
.LBB2_5:
0x87: {  	s2 =	sand.u32 $0x40, s17;
	s25 =	sand.u32 $0x780, s17;
	v21 =	vld [tilespmem:s0+$0x800];
	s0 =	sadd.s32 $0x9080, s29;
	[tilespmem:s7+$0x9080] =	vst v14  }
0x88: {  	s15 =	sadd.s32 $0x4, s15;
	s7 =	sor.u32 $0x800, s25;
	s25 =	sor.u32 s10, s0;
	v14 =	vld.idx.msk [tilespmem:v10+s20+$0x0], $0xffff;
	[tilespmem:s26+$0x9080] =	vst v15  }
0x89: {  	s10 =	sor.u32 $0x30, s2;
	p2 =	slt.u32 s15, $0x7C;
	s26 =	sor.u32 $0x180, s30;
	[tilespmem:s25+$0x0] =	vst v18;
	v15 =	vld.idx.msk [tilespmem:v5+s20+$0x0], $0xffff;
	v5 =	vmov v12  }
0x8a: {  	s29 =	sor.u32 $0x10, s2;
	s30 =	sor.u32 $0x20, s2;
	s12 =	sor.u32 s10, s7;
	v12 =	vld.idx.msk [tilespmem:v20+s20+$0x0], $0xffff;
	[tilespmem:s26+$0x9080] =	vst v17  }
0x8b: {  	s18 =	sor.u32 s30, s7;
	s26 =	sor.u32 s29, s7;
	v17 =	vld [tilespmem:s12+$0x0];
	s12 =	sor.u32 s24, s0  }
0x8c: {  	s7 =	sor.u32 s13, s0;
	s24 =	smov.u32 s2;
	v18 =	vld [tilespmem:s26+$0x0];
	v10 =	vand.u32 $0x7F, v21;
	v20 =	vshll.u32 v21, $0x2;
	s26 =	sor.u32 s11, s0;
	v21 =	vor.u32 $0x100, v1  }
0x8d: {  	s13 =	smov.u32 s30;
	s2 =	smov.u32 s14;
	s11 =	smov.u32 s29;
	v22 =	vld [tilespmem:s18+$0x0];
	v20 =	vand.u32 $0xFFFFFE00, v20;
	[tilespmem:s26+$0x0] =	vst v16  }
0x8e: {  	s14 =	smov.u32 s3;
	v16 =	vor.u32 v10, v20;
	v11 =	vld.idx.msk [tilespmem:v11+s20+$0x0], $0xffff;
	[tilespmem:s7+$0x0] =	vst v19  }
0x8f: {  	v10 =	vor.u32 $0x80, v16;
	v19 =	vor.u32 $0x100, v16;
	v20 =	vor.u32 $0x180, v16;
	v13 =	vld.idx.msk [tilespmem:v13+s20+$0x0], $0xffff;
	[tilespmem:s1+$0x80] =	vst v14;
	s1 =	smov.u32 s12  }
0x90: {  	p1 =	por !p1, !p1;
	s0 =	simm.s32 $0x1;
	v14 =	vshll.u32 v17, $0x2;
	[tilespmem:s25+$0x80] =	vst v12;
	v23 =	vld.idx.msk [tilespmem:v6+s20+$0x0], $0xffff;
	v6 =	vmov v19  }
0x91: {  	s0 =	simm.s32 @!p1 $0x0;
	v17 =	vand.u32 $0x7F, v17;
	v12 =	vshll.u32 v18, $0x2;
	v14 =	vand.u32 $0xFFFFFE00, v14;
	v19 =	vld.idx.msk [tilespmem:v21+s20+$0x0], $0xffff;
	[tilespmem:s5+$0x9080] =	vst v15  }
0x92: {  	s0 =	sshll.u32 s0, $0x6;
	v12 =	vand.u32 $0xFFFFFE00, v12;
	v15 =	vshll.u32 v22, $0x2;
	v17 =	vor.u32 v17, v14;
	v21 =	vld.idx.msk [tilespmem:v4+s20+$0x0], $0xffff;
	v4 =	vmovc v9  }
0x93: {  	s0 =	sadd.s32 s0, s8;
	v9 =	vand.u32 $0x7F, v18;
	v14 =	vand.u32 $0xFFFFFE00, v15;
	v24 =	vld.idx.msk [tilespmem:v16+s20+$0x0], $0xffff;
	v16 =	vor.u32 $0x180, v1;
	v1 =	vmovc v17  }
0x94: {  	s30 =	sadd.s32 $0x30, s0;
	v25 =	vor.u32 v9, v12;
	v9 =	vand.u32 $0x7F, v22;
	[tilespmem:s26+$0x80] =	vst v11;
	v22 =	vld.idx.msk [tilespmem:v2+s20+$0x0], $0xffff;
	v2 =	vmovc v3;
	v3 =	vmov v20  }
0x95: {  	s3 =	sadd.s32 $0x10, s0;
	s12 =	sadd.s32 $0x20, s0;
	s18 =	sor.u32 $0x100, s30;
	v11 =	vor.u32 $0x80, v25;
	v26 =	vor.u32 v9, v14;
	v14 =	vld.idx.msk [tilespmem:v7+s20+$0x0], $0xffff;
	v7 =	vor.u32 $0x100, v25;
	[tilespmem:s7+$0x80] =	vst v13  }
.Ltmp3:
0x96: {  	v12 =	vor.u32 $0x180, v25;
	s26 =	sor.u32 $0x100, s12;
	v13 =	vor.u32 $0x80, v26;
	s7 =	sor.u32 $0x100, s3;
	v15 =	vld.idx.msk [tilespmem:v8+s20+$0x0], $0xffff;
	v8 =	vor.u32 $0x100, v26;
	[tilespmem:s31+$0x9080] =	vst v23;
	(pc) =	sbr.rel @p2 .LBB2_5-.Ltmp3, $4  }
0x97: {  	s5 =	sor.u32 $0x180, s3;
	s12 =	sor.u32 $0x180, s12;
	v9 =	vor.u32 $0x180, v26;
	s31 =	sor.u32 $0x100, s0;
	v18 =	vld.idx.msk [tilespmem:v17+s20+$0x0], $0xffff;
	[tilespmem:s18+$0x9080] =	vst v19  }
0x98: {  	s3 =	sor.u32 $0x180, s0;
	v17 =	vld.idx.msk [tilespmem:v16+s20+$0x0], $0xffff;
	[tilespmem:s28+$0x9080] =	vst v21;
	s28 =	smov.u32 s12  }
0x99: {  	s8 =	sadd.s32 $0x100, s8;
	v20 =	vor.u32 $0x80, v1;
	v16 =	vld.idx.msk [tilespmem:v25+s20+$0x0], $0xffff;
	[tilespmem:s1+$0x0] =	vst v24  }
0x9a: {  	s17 =	sadd.s32 $0x40, s17;
	s29 =	sand.u32 $0x1E00, s8;
	s0 =	sshra.s32 s8, $0x2;
	v19 =	vld.idx.msk [tilespmem:v26+s20+$0x0], $0xffff;
	[tilespmem:s2+$0x9080] =	vst v22  }
0x9b: {  	v21 =	vld [tilespmem:s0+$0x800];
	_ =	sdelay $0x4  }
0x9c: {  	v22 =	vshll.u32 v21, $0x2  }
0x9d: {  	v21 =	vand.u32 $0x7F, v21;
	v22 =	vand.u32 $0xFFFFFE00, v22  }
0x9e: {  	v21 =	vor.u32 v21, v22;
	_ =	sdelay $0x3  }
0x9f: {  	s25 =	sadd.s32 $0x9080, s29;
	[tilespmem:s7+$0x9080] =	vst v14  }
0xa0: {  	[tilespmem:s26+$0x9080] =	vst v15;
	s2 =	sor.u32 s10, s25;
	v53 =	vld.idx.msk [tilespmem:v21+s20+$0x0], $0xffff  }
0xa1: {  	v10 =	vld.idx.msk [tilespmem:v10+s20+$0x0], $0xffff;
	s12 =	sor.u32 $0x180, s30;
	[tilespmem:s2+$0x0] =	vst v18;
	v54 =	vor.u32 $0x80, v21  }
0xa2: {  	v2 =	vld.idx.msk [tilespmem:v2+s20+$0x0], $0xffff;
	s29 =	sor.u32 s13, s25;
	[tilespmem:s12+$0x9080] =	vst v17  }
0xa3: {  	s26 =	sor.u32 s11, s25;
	v18 =	vld.idx.msk [tilespmem:v20+s20+$0x0], $0xffff;
	[tilespmem:s29+$0x0] =	vst v19  }
0xa4: {  	v55 =	vor.u32 $0x100, v1;
	s0 =	sor.u32 s24, s25;
	[tilespmem:s26+$0x0] =	vst v16;
	v13 =	vld.idx.msk [tilespmem:v13+s20+$0x0], $0xffff  }
0xa5: {  	v11 =	vld.idx.msk [tilespmem:v11+s20+$0x0], $0xffff;
	[tilespmem:s0+$0x0] =	vst v53  }
0xa6: {  	[tilespmem:s1+$0x80] =	vst v10;
	v56 =	vld.idx.msk [tilespmem:v54+s20+$0x0], $0xffff  }
0xa7: {  	v5 =	vld.idx.msk [tilespmem:v5+s20+$0x0], $0xffff;
	[tilespmem:s14+$0x9080] =	vst v2;
	v57 =	vor.u32 $0x100, v21  }
0xa8: {  	p1 =	por !p1, !p1;
	s1 =	simm.s32 $0x1;
	v6 =	vld.idx.msk [tilespmem:v6+s20+$0x0], $0xffff;
	[tilespmem:s2+$0x80] =	vst v18  }
0xa9: {  	s1 =	simm.s32 @!p1 $0x0;
	v58 =	vld.idx.msk [tilespmem:v55+s20+$0x0], $0xffff;
	[tilespmem:s29+$0x80] =	vst v13  }
0xaa: {  	v1 =	vor.u32 $0x180, v1;
	s1 =	sshll.u32 s1, $0x6;
	[tilespmem:s26+$0x80] =	vst v11;
	v59 =	vld.idx.msk [tilespmem:v8+s20+$0x0], $0xffff  }
0xab: {  	s1 =	sadd.s32 s1, s8;
	v7 =	vld.idx.msk [tilespmem:v7+s20+$0x0], $0xffff;
	[tilespmem:s0+$0x80] =	vst v56  }
0xac: {  	[tilespmem:s5+$0x9080] =	vst v5;
	s13 =	sadd.s32 $0x30, s1;
	v60 =	vld.idx.msk [tilespmem:v57+s20+$0x0], $0xffff  }
0xad: {  	v4 =	vld.idx.msk [tilespmem:v4+s20+$0x0], $0xffff;
	v61 =	vor.u32 $0x180, v21;
	s18 =	sadd.s32 $0x20, s1;
	s17 =	sor.u32 $0x100, s13;
	[tilespmem:s31+$0x9080] =	vst v6  }
0xae: {  	s15 =	sadd.s32 $0x10, s1;
	s25 =	sor.u32 $0x100, s18;
	v3 =	vld.idx.msk [tilespmem:v3+s20+$0x0], $0xffff;
	[tilespmem:s17+$0x9080] =	vst v58  }
0xaf: {  	s24 =	sor.u32 $0x100, s15;
	v1 =	vld.idx.msk [tilespmem:v1+s20+$0x0], $0xffff;
	[tilespmem:s25+$0x9080] =	vst v59  }
0xb0: {  	s26 =	sor.u32 $0x100, s1;
	[tilespmem:s24+$0x9080] =	vst v7;
	v63 =	vld.idx.msk [tilespmem:v9+s20+$0x0], $0xffff  }
0xb1: {  	v62 =	vld.idx.msk [tilespmem:v12+s20+$0x0], $0xffff;
	[tilespmem:s26+$0x9080] =	vst v60  }
0xb2: {  	[tilespmem:s28+$0x9080] =	vst v4;
	v2 =	vld.idx.msk [tilespmem:v61+s20+$0x0], $0xffff  }
0xb3: {  	p1 =	sne.s32 s6, $0x3F;
	s2 =	sor.u32 $0x180, s13;
	[tilespmem:s3+$0x9080] =	vst v3  }
.Ltmp4:
0xb4: {  	s28 =	sor.u32 $0x180, s18;
	[tilespmem:s2+$0x9080] =	vst v1;
	(pc) =	sbr.rel @p1 .LBB2_8-.Ltmp4, $4  }
0xb5: {  	[tilespmem:s28+$0x9080] =	vst v63;
	s0 =	sor.u32 $0x180, s15  }
0xb6: {  	s30 =	rddreg [dreg:$0x3];
	s29 =	sor.u32 $0x180, s1;
	[tilespmem:s0+$0x9080] =	vst v62  }
0xb7: {  	s1 =	simm.s32 $0x200;
	s31 =	simm.s32 $0x9080;
	s0 =	sadd.s32 s30, s4;
	[tilespmem:s29+$0x9080] =	vst v2  }
0xb8: {  	[hbm4b:s0+s1] =	stream.strided.scatter [tilespmem:s31], [sflag:$0x5], $0x2000, s19, s1, $0x38;
	[tilespmem:$0x11080] =	vst v63  }
.Ltmp5:
0xb9: {  	(pc) =	sbr.rel .LBB2_9-.Ltmp5, $4  }
0xba: {  	s0 =	simm.s32 $0x2  }
0xbb: {  	_ =	swait.ge [sflag:s0], $0x2000  }
0xbc: {  	[sflag:s0] =	ssyncset.done $0x0  }
0xbd: {  	[sflag:s0] =	ssyncadd.s32 $0xFFFFE000  }
.LBB2_8:
0xbe: {  	s0 =	rddreg [dreg:$0xb]  }
.Ltmp6:
0xbf: {  	s31 =	simm.s32 $0x2;
	s0 =	sadd.s32 s9, s0;
	(pc) =	sbr.rel @p0 .LBB2_10-.Ltmp6, $4  }
0xc0: {  	[tilespmem:s20], [sflag:$0x1] =	stream.strided.gather [hbm4b:s0+s1], $0x2000, s19, s1, $0x38;
	[tilespmem:$0x11080] =	vst v63  }
0xc1: {  	_ =	swait.ge [sflag:s31], $0x2000  }
0xc2: {  	[sflag:s31] =	ssyncset.done $0x0  }
0xc3: {  	[sflag:s31] =	ssyncadd.s32 $0xFFFFE000  }
.LBB2_9:
0xc4: {  	s0 =	simm.s32 $0x6  }
0xc5: {  	_ =	swait.ge [sflag:s0], $0x2000  }
0xc6: {  	[sflag:s0] =	ssyncset.done $0x0  }
0xc7: {  	[sflag:s0] =	ssyncadd.s32 $0xFFFFE000  }
.LBB2_10:
0xc8: {  	s0 =	simm.s32 $0x0  }
0xc9: {  	s3 =	sand.u32 $0x40, s0;
	s1 =	sand.u32 $0x780, s0  }
0xca: {  	s1 =	sor.u32 $0x800, s1;
	s2 =	sor.u32 $0x30, s3  }
0xcb: {  	s5 =	sor.u32 s2, s1  }
0xcc: {  	s15 =	sor.u32 $0x10, s3;
	v1 =	vld [tilespmem:s5+$0x0]  }
0xcd: {  	s12 =	sor.u32 $0x20, s3;
	s7 =	sor.u32 s15, s1  }
0xce: {  	s1 =	sor.u32 s12, s1;
	v2 =	vld [tilespmem:s7+$0x0]  }
0xcf: {  	v3 =	vld [tilespmem:s1+$0x0];
	_ =	sdelay $0x1  }
0xd0: {  	v4 =	vshll.u32 v1, $0x2  }
0xd1: {  	v1 =	vand.u32 $0x7F, v1;
	v4 =	vand.u32 $0xFFFFFE00, v4  }
0xd2: {  	v1 =	vor.u32 v1, v4;
	v4 =	vshll.u32 v2, $0x2  }
0xd3: {  	v5 =	vshll.u32 v3, $0x2;
	v2 =	vand.u32 $0x7F, v2;
	v4 =	vand.u32 $0xFFFFFE00, v4  }
0xd4: {  	v3 =	vand.u32 $0x7F, v3;
	v2 =	vor.u32 v2, v4;
	v4 =	vand.u32 $0xFFFFFE00, v5  }
0xd5: {  	v3 =	vor.u32 v3, v4;
	_ =	sdelay $0x1  }
0xd6: {  	s17 =	simm.s32 $0x0;
	s8 =	simm.s32 $0x40;
	v4 =	vld.idx.msk [tilespmem:v1+s21+$0x0], $0xffff  }
0xd7: {  	s0 =	sand.u32 $0x1E00, s0;
	s18 =	sand.u32 $0x780, s8;
	v7 =	vld [tilespmem:s17+$0x800];
	s1 =	sand.u32 $0x40, s8;
	v5 =	vor.u32 $0x80, v1  }
0xd8: {  	s11 =	sadd.s32 $0xB080, s0;
	s0 =	sor.u32 $0x800, s18;
	s10 =	sor.u32 $0x30, s1;
	v6 =	vld.idx.msk [tilespmem:v2+s21+$0x0], $0xffff  }
0xd9: {  	s25 =	sor.u32 s10, s0;
	v8 =	vld.idx.msk [tilespmem:v3+s21+$0x0], $0xffff  }
0xda: {  	s24 =	sor.u32 s2, s11;
	v10 =	vld [tilespmem:s25+$0x0];
	v9 =	vor.u32 $0x80, v3  }
0xdb: {  	s8 =	sor.u32 $0x10, s1;
	[tilespmem:s24+$0x0] =	vst v4  }
0xdc: {  	s26 =	sor.u32 s15, s11;
	s2 =	sor.u32 $0x20, s1;
	s13 =	sor.u32 s8, s0;
	v12 =	vshll.u32 v7, $0x2;
	v4 =	vor.u32 $0x80, v2;
	v5 =	vld.idx.msk [tilespmem:v5+s21+$0x0], $0xffff  }
0xdd: {  	s12 =	sor.u32 s12, s11;
	s0 =	sor.u32 s2, s0;
	v7 =	vand.u32 $0x7F, v7;
	v11 =	vld [tilespmem:s13+$0x0];
	v12 =	vand.u32 $0xFFFFFE00, v12;
	v13 =	vor.u32 $0x100, v1;
	[tilespmem:s26+$0x0] =	vst v6  }
0xde: {  	v14 =	vld [tilespmem:s0+$0x0];
	v6 =	vor.u32 v7, v12;
	[tilespmem:s12+$0x0] =	vst v8  }
0xdf: {  	v12 =	vshll.u32 v10, $0x2;
	v9 =	vld.idx.msk [tilespmem:v9+s21+$0x0], $0xffff  }
0xe0: {  	v10 =	vand.u32 $0x7F, v10;
	v8 =	vor.u32 $0x100, v3;
	v12 =	vand.u32 $0xFFFFFE00, v12  }
0xe1: {  	p2 =	por $0x0, $0x0;
	s0 =	simm.s32 $0x1;
	v10 =	vor.u32 v10, v12;
	v4 =	vld.idx.msk [tilespmem:v4+s21+$0x0], $0xffff;
	[tilespmem:s24+$0x80] =	vst v5  }
0xe2: {  	s0 =	simm.s32 @!p2 $0x0;
	v7 =	vor.u32 $0x100, v2;
	v13 =	vld.idx.msk [tilespmem:v13+s21+$0x0], $0xffff  }
0xe3: {  	s0 =	sshll.u32 s0, $0x6;
	v1 =	vor.u32 $0x180, v1;
	v5 =	vshll.u32 v11, $0x2;
	v15 =	vld.idx.msk [tilespmem:v6+s21+$0x0], $0xffff  }
0xe4: {  	s5 =	sadd.s32 $0x0, s0;
	v12 =	vshll.u32 v14, $0x2;
	v11 =	vand.u32 $0x7F, v11;
	v5 =	vand.u32 $0xFFFFFE00, v5;
	[tilespmem:s12+$0x80] =	vst v9  }
0xe5: {  	s7 =	sadd.s32 $0x30, s5;
	v12 =	vand.u32 $0xFFFFFE00, v12;
	v5 =	vor.u32 v11, v5;
	v11 =	vand.u32 $0x7F, v14;
	v8 =	vld.idx.msk [tilespmem:v8+s21+$0x0], $0xffff  }
0xe6: {  	s17 =	simm.s32 $0x40;
	s15 =	simm.s32 $0x100;
	s14 =	sor.u32 $0x100, s7;
	[tilespmem:s26+$0x80] =	vst v4;
	v4 =	vor.u32 v11, v12;
	v11 =	vld.idx.msk [tilespmem:v10+s21+$0x0], $0xffff  }
0xe7: {  	s18 =	simm.s32 $0x80;
	s0 =	sand.u32 $0x1E00, s15;
	v9 =	vor.u32 $0x80, v6;
	s12 =	sor.u32 s3, s11;
	v7 =	vld.idx.msk [tilespmem:v7+s21+$0x0], $0xffff;
	[tilespmem:s14+$0xB080] =	vst v13  }
0xe8: {  	s25 =	sand.u32 $0x780, s18;
	s24 =	sand.u32 $0x40, s18;
	s3 =	sadd.s32 $0xB080, s0;
	[tilespmem:s12+$0x0] =	vst v15;
	v15 =	vld [tilespmem:s17+$0x800]  }
0xe9: {  	s0 =	sor.u32 $0x800, s25;
	s26 =	sor.u32 s10, s3;
	s10 =	sor.u32 $0x30, s24;
	v12 =	vld.idx.msk [tilespmem:v1+s21+$0x0], $0xffff  }
0xea: {  	s14 =	sor.u32 s10, s0;
	v1 =	vor.u32 $0x80, v10;
	v13 =	vld.idx.msk [tilespmem:v5+s21+$0x0], $0xffff  }
0xeb: {  	v2 =	vor.u32 $0x180, v2;
	v17 =	vld [tilespmem:s14+$0x0]  }
0xec: {  	s15 =	sadd.s32 $0x10, s5;
	s11 =	sor.u32 $0x10, s24;
	v9 =	vld.idx.msk [tilespmem:v9+s21+$0x0], $0xffff  }
0xed: {  	s18 =	sor.u32 s11, s0;
	s17 =	sor.u32 $0x100, s15;
	v14 =	vld.idx.msk [tilespmem:v4+s21+$0x0], $0xffff;
	[tilespmem:s26+$0x0] =	vst v11;
	v11 =	vor.u32 $0x80, v5  }
0xee: {  	v16 =	vor.u32 $0x80, v4;
	[tilespmem:s17+$0xB080] =	vst v7;
	v7 =	vld [tilespmem:s18+$0x0]  }
0xef: {  	v18 =	vor.u32 $0x100, v6;
	s14 =	sor.u32 $0x20, s24;
	v1 =	vld.idx.msk [tilespmem:v1+s21+$0x0], $0xffff  }
0xf0: {  	v20 =	vor.u32 $0x100, v10;
	s8 =	sor.u32 s8, s3;
	s0 =	sor.u32 s14, s0;
	v19 =	vld.idx.msk [tilespmem:v2+s21+$0x0], $0xffff;
	v2 =	vshll.u32 v15, $0x2  }
0xf1: {  	v3 =	vor.u32 $0x180, v3;
	s2 =	sor.u32 s2, s3;
	v21 =	vld [tilespmem:s0+$0x0];
	v15 =	vand.u32 $0x7F, v15;
	v2 =	vand.u32 $0xFFFFFE00, v2;
	[tilespmem:s8+$0x0] =	vst v13  }
0xf2: {  	v13 =	vor.u32 v15, v2;
	v2 =	vld.idx.msk [tilespmem:v11+s21+$0x0], $0xffff;
	[tilespmem:s2+$0x0] =	vst v14  }
0xf3: {  	s17 =	sadd.s32 $0x20, s5;
	v15 =	vor.u32 $0x100, v4;
	[tilespmem:s12+$0x80] =	vst v9;
	v9 =	vshll.u32 v17, $0x2;
	v11 =	vor.u32 $0x100, v5;
	v16 =	vld.idx.msk [tilespmem:v16+s21+$0x0], $0xffff  }
0xf4: {  	s13 =	simm.s32 $0x1;
	p2 =	por !p2, !p2;
	s18 =	sor.u32 $0x100, s17;
	v22 =	vld.idx.msk [tilespmem:v18+s21+$0x0], $0xffff;
	v14 =	vand.u32 $0x7F, v17;
	v9 =	vand.u32 $0xFFFFFE00, v9;
	[tilespmem:s26+$0x80] =	vst v1;
	v1 =	vshll.u32 v7, $0x2  }
0xf5: {  	s13 =	simm.s32 @!p2 $0x0;
	s7 =	sor.u32 $0x180, s7;
	[tilespmem:s18+$0xB080] =	vst v8;
	v8 =	vld.idx.msk [tilespmem:v20+s21+$0x0], $0xffff;
	v17 =	vand.u32 $0xFFFFFE00, v1;
	v1 =	vor.u32 v14, v9  }
0xf6: {  	s25 =	sshll.u32 s13, $0x6;
	[tilespmem:s7+$0xB080] =	vst v12;
	v9 =	vshll.u32 v21, $0x2;
	v20 =	vld.idx.msk [tilespmem:v3+s21+$0x0], $0xffff;
	v3 =	vand.u32 $0x7F, v7;
	v7 =	vor.u32 $0x180, v10  }
0xf7: {  	s13 =	sor.u32 $0x180, s5;
	s1 =	sor.u32 s1, s3;
	s18 =	sadd.s32 $0x100, s25;
	v23 =	vld.idx.msk [tilespmem:v13+s21+$0x0], $0xffff;
	v9 =	vand.u32 $0xFFFFFE00, v9;
	v24 =	vor.u32 v3, v17;
	v3 =	vand.u32 $0x7F, v21;
	[tilespmem:s8+$0x80] =	vst v2  }
0xf8: {  	s0 =	sor.u32 $0x180, s17;
	s30 =	sadd.s32 $0x30, s18;
	s26 =	sor.u32 $0x180, s15;
	v21 =	vor.u32 v3, v9;
	v14 =	vld.idx.msk [tilespmem:v11+s21+$0x0], $0xffff;
	[tilespmem:s2+$0x80] =	vst v16  }
0xf9: {  	s12 =	sor.u32 $0x100, s5;
	v4 =	vor.u32 $0x180, v4;
	s25 =	sadd.s32 $0x20, s18;
	s17 =	sor.u32 $0x100, s30;
	[tilespmem:s26+$0xB080] =	vst v19;
	v15 =	vld.idx.msk [tilespmem:v15+s21+$0x0], $0xffff  }
0xfa: {  	s31 =	sor.u32 $0x100, s18;
	s3 =	sor.u32 $0x180, s18;
	v5 =	vor.u32 $0x180, v5;
	s28 =	sor.u32 $0x180, s25;
	v10 =	vor.u32 $0x80, v13;
	v2 =	vor.u32 $0x180, v6;
	v18 =	vld.idx.msk [tilespmem:v1+s21+$0x0], $0xffff;
	[tilespmem:s17+$0xB080] =	vst v8  }
0xfb: {  	s15 =	simm.s32 $0x8;
	s26 =	sor.u32 $0x100, s25;
	s8 =	sadd.s32 $0x10, s18;
	v6 =	vor.u32 $0x100, v13;
	[tilespmem:s12+$0xB080] =	vst v22;
	v3 =	vor.u32 $0x180, v13;
	v11 =	vor.u32 $0x80, v24;
	v17 =	vld.idx.msk [tilespmem:v7+s21+$0x0], $0xffff  }
0xfc: {  	s7 =	sor.u32 $0x100, s8;
	s5 =	sor.u32 $0x180, s8;
	v12 =	vor.u32 $0x180, v24;
	s8 =	simm.s32 $0x200;
	v13 =	vor.u32 $0x80, v21;
	[tilespmem:s0+$0xB080] =	vst v20;
	v20 =	vor.u32 $0x80, v1;
	v16 =	vld.idx.msk [tilespmem:v24+s21+$0x0], $0xffff  }
0xfd: {  	v9 =	vor.u32 $0x180, v21;
	s29 =	sand.u32 $0x1E00, s8;
	v8 =	vor.u32 $0x100, v21;
	[tilespmem:s1+$0x0] =	vst v23;
	s0 =	simm.s32 $0x80;
	s17 =	simm.s32 $0xC0;
	v7 =	vor.u32 $0x100, v24;
	v19 =	vld.idx.msk [tilespmem:v21+s21+$0x0], $0xffff  }
.LBB2_11:
0xfe: {  	s2 =	sand.u32 $0x40, s17;
	s12 =	sand.u32 $0x780, s17;
	v21 =	vld [tilespmem:s0+$0x800];
	s0 =	sadd.s32 $0xB080, s29;
	[tilespmem:s7+$0xB080] =	vst v14  }
0xff: {  	s15 =	sadd.s32 $0x4, s15;
	s7 =	sor.u32 $0x800, s12;
	s12 =	sor.u32 s10, s0;
	v14 =	vld.idx.msk [tilespmem:v10+s21+$0x0], $0xffff;
	[tilespmem:s26+$0xB080] =	vst v15  }
0x100: {  	s18 =	sor.u32 $0x180, s30;
	s10 =	sor.u32 $0x30, s2;
	p3 =	slt.u32 s15, $0x7C;
	[tilespmem:s12+$0x0] =	vst v18;
	v15 =	vld.idx.msk [tilespmem:v5+s21+$0x0], $0xffff;
	v5 =	vmov v12  }
0x101: {  	s25 =	sor.u32 $0x10, s2;
	s26 =	sor.u32 $0x20, s2;
	s29 =	sor.u32 s10, s7;
	v12 =	vld.idx.msk [tilespmem:v20+s21+$0x0], $0xffff;
	[tilespmem:s18+$0xB080] =	vst v17  }
0x102: {  	s30 =	sor.u32 s26, s7;
	s18 =	sor.u32 s25, s7;
	v17 =	vld [tilespmem:s29+$0x0];
	s29 =	sor.u32 s24, s0  }
0x103: {  	s7 =	sor.u32 s14, s0;
	s24 =	smov.u32 s2;
	v18 =	vld [tilespmem:s18+$0x0];
	v10 =	vand.u32 $0x7F, v21;
	v20 =	vshll.u32 v21, $0x2;
	s18 =	sor.u32 s11, s0;
	v21 =	vor.u32 $0x100, v1  }
0x104: {  	s14 =	smov.u32 s26;
	s2 =	smov.u32 s13;
	s11 =	smov.u32 s25;
	v22 =	vld [tilespmem:s30+$0x0];
	v20 =	vand.u32 $0xFFFFFE00, v20;
	[tilespmem:s18+$0x0] =	vst v16  }
0x105: {  	s13 =	smov.u32 s3;
	v16 =	vor.u32 v10, v20;
	v11 =	vld.idx.msk [tilespmem:v11+s21+$0x0], $0xffff;
	[tilespmem:s7+$0x0] =	vst v19  }
0x106: {  	v10 =	vor.u32 $0x80, v16;
	v19 =	vor.u32 $0x100, v16;
	v20 =	vor.u32 $0x180, v16;
	v13 =	vld.idx.msk [tilespmem:v13+s21+$0x0], $0xffff;
	[tilespmem:s1+$0x80] =	vst v14;
	s1 =	smov.u32 s29  }
0x107: {  	p2 =	por !p2, !p2;
	s0 =	simm.s32 $0x1;
	v14 =	vshll.u32 v17, $0x2;
	[tilespmem:s12+$0x80] =	vst v12;
	v23 =	vld.idx.msk [tilespmem:v6+s21+$0x0], $0xffff;
	v6 =	vmov v19  }
0x108: {  	s0 =	simm.s32 @!p2 $0x0;
	v17 =	vand.u32 $0x7F, v17;
	v12 =	vshll.u32 v18, $0x2;
	v14 =	vand.u32 $0xFFFFFE00, v14;
	v19 =	vld.idx.msk [tilespmem:v21+s21+$0x0], $0xffff;
	[tilespmem:s5+$0xB080] =	vst v15  }
0x109: {  	s0 =	sshll.u32 s0, $0x6;
	v12 =	vand.u32 $0xFFFFFE00, v12;
	v15 =	vshll.u32 v22, $0x2;
	v17 =	vor.u32 v17, v14;
	v21 =	vld.idx.msk [tilespmem:v4+s21+$0x0], $0xffff;
	v4 =	vmovc v9  }
0x10a: {  	s0 =	sadd.s32 s0, s8;
	v9 =	vand.u32 $0x7F, v18;
	v14 =	vand.u32 $0xFFFFFE00, v15;
	v24 =	vld.idx.msk [tilespmem:v16+s21+$0x0], $0xffff;
	v16 =	vor.u32 $0x180, v1;
	v1 =	vmovc v17  }
0x10b: {  	s12 =	sadd.s32 $0x20, s0;
	v25 =	vor.u32 v9, v12;
	v9 =	vand.u32 $0x7F, v22;
	[tilespmem:s18+$0x80] =	vst v11;
	v22 =	vld.idx.msk [tilespmem:v2+s21+$0x0], $0xffff;
	v2 =	vmovc v3;
	v3 =	vmov v20  }
0x10c: {  	s3 =	sadd.s32 $0x10, s0;
	s30 =	sadd.s32 $0x30, s0;
	s26 =	sor.u32 $0x100, s12;
	v11 =	vor.u32 $0x80, v25;
	v26 =	vor.u32 v9, v14;
	v14 =	vld.idx.msk [tilespmem:v7+s21+$0x0], $0xffff;
	v7 =	vor.u32 $0x100, v25;
	[tilespmem:s7+$0x80] =	vst v13  }
.Ltmp7:
0x10d: {  	v12 =	vor.u32 $0x180, v25;
	s18 =	sor.u32 $0x100, s30;
	v13 =	vor.u32 $0x80, v26;
	s7 =	sor.u32 $0x100, s3;
	v15 =	vld.idx.msk [tilespmem:v8+s21+$0x0], $0xffff;
	v8 =	vor.u32 $0x100, v26;
	[tilespmem:s31+$0xB080] =	vst v23;
	(pc) =	sbr.rel @p3 .LBB2_11-.Ltmp7, $4  }
0x10e: {  	s5 =	sor.u32 $0x180, s3;
	s12 =	sor.u32 $0x180, s12;
	v9 =	vor.u32 $0x180, v26;
	s31 =	sor.u32 $0x100, s0;
	v18 =	vld.idx.msk [tilespmem:v17+s21+$0x0], $0xffff;
	[tilespmem:s18+$0xB080] =	vst v19  }
0x10f: {  	s3 =	sor.u32 $0x180, s0;
	v17 =	vld.idx.msk [tilespmem:v16+s21+$0x0], $0xffff;
	[tilespmem:s28+$0xB080] =	vst v21;
	s28 =	smov.u32 s12  }
0x110: {  	s8 =	sadd.s32 $0x100, s8;
	v20 =	vor.u32 $0x80, v1;
	v16 =	vld.idx.msk [tilespmem:v25+s21+$0x0], $0xffff;
	[tilespmem:s1+$0x0] =	vst v24  }
0x111: {  	s17 =	sadd.s32 $0x40, s17;
	s29 =	sand.u32 $0x1E00, s8;
	s0 =	sshra.s32 s8, $0x2;
	v19 =	vld.idx.msk [tilespmem:v26+s21+$0x0], $0xffff;
	[tilespmem:s2+$0xB080] =	vst v22  }
0x112: {  	v21 =	vld [tilespmem:s0+$0x800];
	_ =	sdelay $0x4  }
0x113: {  	v22 =	vshll.u32 v21, $0x2  }
0x114: {  	v21 =	vand.u32 $0x7F, v21;
	v22 =	vand.u32 $0xFFFFFE00, v22  }
0x115: {  	v21 =	vor.u32 v21, v22;
	_ =	sdelay $0x3  }
0x116: {  	s25 =	sadd.s32 $0xB080, s29;
	[tilespmem:s7+$0xB080] =	vst v14  }
0x117: {  	[tilespmem:s26+$0xB080] =	vst v15;
	s2 =	sor.u32 s10, s25;
	v53 =	vld.idx.msk [tilespmem:v21+s21+$0x0], $0xffff  }
0x118: {  	v10 =	vld.idx.msk [tilespmem:v10+s21+$0x0], $0xffff;
	s12 =	sor.u32 $0x180, s30;
	[tilespmem:s2+$0x0] =	vst v18;
	v54 =	vor.u32 $0x80, v21  }
0x119: {  	v2 =	vld.idx.msk [tilespmem:v2+s21+$0x0], $0xffff;
	s29 =	sor.u32 s14, s25;
	[tilespmem:s12+$0xB080] =	vst v17  }
0x11a: {  	s26 =	sor.u32 s11, s25;
	v18 =	vld.idx.msk [tilespmem:v20+s21+$0x0], $0xffff;
	[tilespmem:s29+$0x0] =	vst v19  }
0x11b: {  	v55 =	vor.u32 $0x100, v1;
	s0 =	sor.u32 s24, s25;
	[tilespmem:s26+$0x0] =	vst v16;
	v13 =	vld.idx.msk [tilespmem:v13+s21+$0x0], $0xffff  }
0x11c: {  	v11 =	vld.idx.msk [tilespmem:v11+s21+$0x0], $0xffff;
	[tilespmem:s0+$0x0] =	vst v53  }
0x11d: {  	[tilespmem:s1+$0x80] =	vst v10;
	v56 =	vld.idx.msk [tilespmem:v54+s21+$0x0], $0xffff  }
0x11e: {  	v5 =	vld.idx.msk [tilespmem:v5+s21+$0x0], $0xffff;
	[tilespmem:s13+$0xB080] =	vst v2;
	v57 =	vor.u32 $0x100, v21  }
0x11f: {  	p2 =	por !p2, !p2;
	s1 =	simm.s32 $0x1;
	v6 =	vld.idx.msk [tilespmem:v6+s21+$0x0], $0xffff;
	[tilespmem:s2+$0x80] =	vst v18  }
0x120: {  	s1 =	simm.s32 @!p2 $0x0;
	v58 =	vld.idx.msk [tilespmem:v55+s21+$0x0], $0xffff;
	[tilespmem:s29+$0x80] =	vst v13  }
0x121: {  	v1 =	vor.u32 $0x180, v1;
	s1 =	sshll.u32 s1, $0x6;
	[tilespmem:s26+$0x80] =	vst v11;
	v59 =	vld.idx.msk [tilespmem:v8+s21+$0x0], $0xffff  }
0x122: {  	s1 =	sadd.s32 s1, s8;
	v7 =	vld.idx.msk [tilespmem:v7+s21+$0x0], $0xffff;
	[tilespmem:s0+$0x80] =	vst v56  }
0x123: {  	[tilespmem:s5+$0xB080] =	vst v5;
	s14 =	sadd.s32 $0x30, s1;
	v60 =	vld.idx.msk [tilespmem:v57+s21+$0x0], $0xffff  }
0x124: {  	v4 =	vld.idx.msk [tilespmem:v4+s21+$0x0], $0xffff;
	v61 =	vor.u32 $0x180, v21;
	s18 =	sadd.s32 $0x20, s1;
	s17 =	sor.u32 $0x100, s14;
	[tilespmem:s31+$0xB080] =	vst v6  }
0x125: {  	s15 =	sadd.s32 $0x10, s1;
	s25 =	sor.u32 $0x100, s18;
	v3 =	vld.idx.msk [tilespmem:v3+s21+$0x0], $0xffff;
	[tilespmem:s17+$0xB080] =	vst v58  }
0x126: {  	s24 =	sor.u32 $0x100, s15;
	v1 =	vld.idx.msk [tilespmem:v1+s21+$0x0], $0xffff;
	[tilespmem:s25+$0xB080] =	vst v59  }
0x127: {  	s26 =	sor.u32 $0x100, s1;
	[tilespmem:s24+$0xB080] =	vst v7;
	v63 =	vld.idx.msk [tilespmem:v9+s21+$0x0], $0xffff  }
0x128: {  	v62 =	vld.idx.msk [tilespmem:v12+s21+$0x0], $0xffff;
	[tilespmem:s26+$0xB080] =	vst v60  }
0x129: {  	[tilespmem:s28+$0xB080] =	vst v4;
	v2 =	vld.idx.msk [tilespmem:v61+s21+$0x0], $0xffff  }
0x12a: {  	s2 =	sor.u32 $0x180, s14;
	[tilespmem:s3+$0xB080] =	vst v3  }
0x12b: {  	s28 =	sor.u32 $0x180, s18;
	[tilespmem:s2+$0xB080] =	vst v1  }
0x12c: {  	[tilespmem:s28+$0xB080] =	vst v63;
	s0 =	sor.u32 $0x180, s15  }
.Ltmp8:
0x12d: {  	s29 =	sor.u32 $0x180, s1;
	[tilespmem:s0+$0xB080] =	vst v62;
	(pc) =	sbr.rel @p1 .LBB2_14-.Ltmp8, $4  }
0x12e: {  	[tilespmem:s29+$0xB080] =	vst v2  }
0x12f: {  	s0 =	rddreg [dreg:$0xc]  }
0x130: {  	s30 =	simm.s32 $0xB080;
	s31 =	simm.s32 $0x200;
	s0 =	sadd.s32 s4, s0  }
0x131: {  	[hbm4b:s0+s31] =	stream.strided.scatter [tilespmem:s30], [sflag:$0x6], $0x2000, s19, s31, $0x38;
	[tilespmem:$0x11080] =	vst v63  }
.Ltmp9:
0x132: {  	(pc) =	sbr.rel .LBB2_15-.Ltmp9, $4  }
0x133: {  	s0 =	simm.s32 $0x3  }
0x134: {  	_ =	swait.ge [sflag:s0], $0x2000  }
0x135: {  	[sflag:s0] =	ssyncset.done $0x0  }
0x136: {  	[sflag:s0] =	ssyncadd.s32 $0xFFFFE000  }
.LBB2_14:
0x137: {  	s0 =	rddreg [dreg:$0xd]  }
.Ltmp10:
0x138: {  	s30 =	simm.s32 $0x3;
	s0 =	sadd.s32 s9, s0;
	(pc) =	sbr.rel @p0 .LBB2_16-.Ltmp10, $4  }
0x139: {  	[tilespmem:s21], [sflag:$0x2] =	stream.strided.gather [hbm4b:s0+s31], $0x2000, s19, s31, $0x38;
	[tilespmem:$0x11080] =	vst v63  }
0x13a: {  	_ =	swait.ge [sflag:s30], $0x2000  }
0x13b: {  	[sflag:s30] =	ssyncset.done $0x0  }
0x13c: {  	[sflag:s30] =	ssyncadd.s32 $0xFFFFE000  }
.LBB2_15:
0x13d: {  	s0 =	simm.s32 $0x7  }
0x13e: {  	_ =	swait.ge [sflag:s0], $0x2000  }
0x13f: {  	[sflag:s0] =	ssyncset.done $0x0  }
0x140: {  	[sflag:s0] =	ssyncadd.s32 $0xFFFFE000  }
.LBB2_16:
0x141: {  	s0 =	simm.s32 $0x0  }
0x142: {  	s3 =	sand.u32 $0x40, s0;
	s1 =	sand.u32 $0x780, s0  }
0x143: {  	s1 =	sor.u32 $0x800, s1;
	s2 =	sor.u32 $0x30, s3  }
0x144: {  	s4 =	sor.u32 s2, s1  }
0x145: {  	s5 =	sor.u32 $0x10, s3;
	v1 =	vld [tilespmem:s4+$0x0]  }
0x146: {  	s7 =	sor.u32 $0x20, s3;
	s18 =	sor.u32 s5, s1  }
0x147: {  	s1 =	sor.u32 s7, s1;
	v2 =	vld [tilespmem:s18+$0x0]  }
0x148: {  	v3 =	vld [tilespmem:s1+$0x0];
	_ =	sdelay $0x1  }
0x149: {  	v4 =	vshll.u32 v1, $0x2  }
0x14a: {  	v1 =	vand.u32 $0x7F, v1;
	v4 =	vand.u32 $0xFFFFFE00, v4  }
0x14b: {  	v1 =	vor.u32 v1, v4;
	v4 =	vshll.u32 v2, $0x2  }
0x14c: {  	v5 =	vshll.u32 v3, $0x2;
	v2 =	vand.u32 $0x7F, v2;
	v4 =	vand.u32 $0xFFFFFE00, v4  }
0x14d: {  	v3 =	vand.u32 $0x7F, v3;
	v2 =	vor.u32 v2, v4;
	v4 =	vand.u32 $0xFFFFFE00, v5  }
0x14e: {  	v3 =	vor.u32 v3, v4;
	_ =	sdelay $0x1  }
0x14f: {  	s8 =	simm.s32 $0x0;
	s10 =	simm.s32 $0x40;
	v4 =	vld.idx.msk [tilespmem:v1+s22+$0x0], $0xffff  }
0x150: {  	s0 =	sand.u32 $0x1E00, s0;
	s25 =	sand.u32 $0x780, s10;
	v7 =	vld [tilespmem:s8+$0x800];
	s1 =	sand.u32 $0x40, s10;
	v5 =	vor.u32 $0x80, v1  }
0x151: {  	s24 =	sadd.s32 $0xD080, s0;
	s0 =	sor.u32 $0x800, s25;
	s26 =	sor.u32 $0x30, s1;
	v6 =	vld.idx.msk [tilespmem:v2+s22+$0x0], $0xffff  }
0x152: {  	s14 =	sor.u32 s26, s0;
	v8 =	vld.idx.msk [tilespmem:v3+s22+$0x0], $0xffff  }
0x153: {  	s11 =	sor.u32 s2, s24;
	v10 =	vld [tilespmem:s14+$0x0];
	v9 =	vor.u32 $0x80, v3  }
0x154: {  	s8 =	sor.u32 $0x10, s1;
	[tilespmem:s11+$0x0] =	vst v4  }
0x155: {  	s15 =	sor.u32 s5, s24;
	s2 =	sor.u32 $0x20, s1;
	s12 =	sor.u32 s8, s0;
	v12 =	vshll.u32 v7, $0x2;
	v4 =	vor.u32 $0x80, v2;
	v5 =	vld.idx.msk [tilespmem:v5+s22+$0x0], $0xffff  }
0x156: {  	s7 =	sor.u32 s7, s24;
	s0 =	sor.u32 s2, s0;
	v7 =	vand.u32 $0x7F, v7;
	v11 =	vld [tilespmem:s12+$0x0];
	v12 =	vand.u32 $0xFFFFFE00, v12;
	v13 =	vor.u32 $0x100, v1;
	[tilespmem:s15+$0x0] =	vst v6  }
0x157: {  	p2 =	por $0x0, $0x0;
	s13 =	simm.s32 $0x80;
	v14 =	vld [tilespmem:s0+$0x0];
	s0 =	simm.s32 $0x1;
	v6 =	vor.u32 v7, v12;
	[tilespmem:s7+$0x0] =	vst v8  }
0x158: {  	s25 =	sand.u32 $0x780, s13;
	s0 =	simm.s32 @!p2 $0x0;
	v12 =	vshll.u32 v10, $0x2;
	v9 =	vld.idx.msk [tilespmem:v9+s22+$0x0], $0xffff  }
0x159: {  	s18 =	simm.s32 $0x100;
	s4 =	sand.u32 $0x40, s13;
	s0 =	sshll.u32 s0, $0x6;
	v10 =	vand.u32 $0x7F, v10;
	v8 =	vor.u32 $0x100, v3;
	v12 =	vand.u32 $0xFFFFFE00, v12  }
0x15a: {  	s10 =	sor.u32 $0x30, s4;
	s5 =	sadd.s32 $0x0, s0;
	s0 =	sand.u32 $0x1E00, s18;
	v10 =	vor.u32 v10, v12;
	v4 =	vld.idx.msk [tilespmem:v4+s22+$0x0], $0xffff;
	[tilespmem:s11+$0x80] =	vst v5  }
0x15b: {  	s12 =	sor.u32 s3, s24;
	s3 =	sadd.s32 $0xD080, s0;
	s0 =	sor.u32 $0x800, s25;
	v7 =	vor.u32 $0x100, v2;
	v13 =	vld.idx.msk [tilespmem:v13+s22+$0x0], $0xffff  }
0x15c: {  	s14 =	sor.u32 s10, s0;
	v1 =	vor.u32 $0x180, v1;
	v5 =	vshll.u32 v11, $0x2;
	v15 =	vld.idx.msk [tilespmem:v6+s22+$0x0], $0xffff  }
0x15d: {  	v17 =	vld [tilespmem:s14+$0x0];
	v12 =	vshll.u32 v14, $0x2;
	v11 =	vand.u32 $0x7F, v11;
	v5 =	vand.u32 $0xFFFFFE00, v5;
	[tilespmem:s7+$0x80] =	vst v9  }
0x15e: {  	v12 =	vand.u32 $0xFFFFFE00, v12;
	v5 =	vor.u32 v11, v5;
	v11 =	vand.u32 $0x7F, v14;
	s7 =	sadd.s32 $0x30, s5;
	v8 =	vld.idx.msk [tilespmem:v8+s22+$0x0], $0xffff  }
0x15f: {  	v9 =	vor.u32 $0x80, v6;
	[tilespmem:s15+$0x80] =	vst v4;
	v4 =	vor.u32 v11, v12;
	s17 =	sor.u32 $0x100, s7;
	v11 =	vld.idx.msk [tilespmem:v10+s22+$0x0], $0xffff  }
0x160: {  	s24 =	simm.s32 $0x40;
	v7 =	vld.idx.msk [tilespmem:v7+s22+$0x0], $0xffff;
	[tilespmem:s17+$0xD080] =	vst v13  }
0x161: {  	[tilespmem:s12+$0x0] =	vst v15;
	v15 =	vld [tilespmem:s24+$0x800]  }
0x162: {  	v12 =	vld.idx.msk [tilespmem:v1+s22+$0x0], $0xffff;
	v1 =	vor.u32 $0x80, v10  }
0x163: {  	v2 =	vor.u32 $0x180, v2;
	v13 =	vld.idx.msk [tilespmem:v5+s22+$0x0], $0xffff  }
0x164: {  	s26 =	sor.u32 s26, s3;
	s11 =	sor.u32 $0x10, s4;
	s15 =	sadd.s32 $0x10, s5;
	v9 =	vld.idx.msk [tilespmem:v9+s22+$0x0], $0xffff  }
0x165: {  	s18 =	sor.u32 s11, s0;
	s17 =	sor.u32 $0x100, s15;
	v14 =	vld.idx.msk [tilespmem:v4+s22+$0x0], $0xffff;
	[tilespmem:s26+$0x0] =	vst v11;
	v11 =	vor.u32 $0x80, v5  }
0x166: {  	v16 =	vor.u32 $0x80, v4;
	[tilespmem:s17+$0xD080] =	vst v7;
	v7 =	vld [tilespmem:s18+$0x0]  }
0x167: {  	s14 =	sor.u32 $0x20, s4;
	v18 =	vor.u32 $0x100, v6;
	v1 =	vld.idx.msk [tilespmem:v1+s22+$0x0], $0xffff  }
0x168: {  	s8 =	sor.u32 s8, s3;
	v20 =	vor.u32 $0x100, v10;
	s0 =	sor.u32 s14, s0;
	v19 =	vld.idx.msk [tilespmem:v2+s22+$0x0], $0xffff;
	v2 =	vshll.u32 v15, $0x2  }
0x169: {  	s2 =	sor.u32 s2, s3;
	v3 =	vor.u32 $0x180, v3;
	v21 =	vld [tilespmem:s0+$0x0];
	v15 =	vand.u32 $0x7F, v15;
	v2 =	vand.u32 $0xFFFFFE00, v2;
	[tilespmem:s8+$0x0] =	vst v13  }
0x16a: {  	v13 =	vor.u32 v15, v2;
	v2 =	vld.idx.msk [tilespmem:v11+s22+$0x0], $0xffff;
	[tilespmem:s2+$0x0] =	vst v14  }
0x16b: {  	s17 =	sadd.s32 $0x20, s5;
	v15 =	vor.u32 $0x100, v4;
	[tilespmem:s12+$0x80] =	vst v9;
	v9 =	vshll.u32 v17, $0x2;
	v11 =	vor.u32 $0x100, v5;
	v16 =	vld.idx.msk [tilespmem:v16+s22+$0x0], $0xffff  }
0x16c: {  	s13 =	simm.s32 $0x1;
	p2 =	por !p2, !p2;
	s24 =	sor.u32 $0x100, s17;
	v22 =	vld.idx.msk [tilespmem:v18+s22+$0x0], $0xffff;
	v14 =	vand.u32 $0x7F, v17;
	v9 =	vand.u32 $0xFFFFFE00, v9;
	[tilespmem:s26+$0x80] =	vst v1;
	v1 =	vshll.u32 v7, $0x2  }
0x16d: {  	s13 =	simm.s32 @!p2 $0x0;
	s7 =	sor.u32 $0x180, s7;
	[tilespmem:s24+$0xD080] =	vst v8;
	v8 =	vld.idx.msk [tilespmem:v20+s22+$0x0], $0xffff;
	v17 =	vand.u32 $0xFFFFFE00, v1;
	v1 =	vor.u32 v14, v9  }
0x16e: {  	s25 =	sshll.u32 s13, $0x6;
	[tilespmem:s7+$0xD080] =	vst v12;
	v9 =	vshll.u32 v21, $0x2;
	v20 =	vld.idx.msk [tilespmem:v3+s22+$0x0], $0xffff;
	v3 =	vand.u32 $0x7F, v7;
	v7 =	vor.u32 $0x180, v10  }
0x16f: {  	s13 =	sor.u32 $0x180, s5;
	s1 =	sor.u32 s1, s3;
	s18 =	sadd.s32 $0x100, s25;
	v23 =	vld.idx.msk [tilespmem:v13+s22+$0x0], $0xffff;
	v9 =	vand.u32 $0xFFFFFE00, v9;
	v24 =	vor.u32 v3, v17;
	v3 =	vand.u32 $0x7F, v21;
	[tilespmem:s8+$0x80] =	vst v2  }
0x170: {  	s0 =	sor.u32 $0x180, s17;
	s30 =	sadd.s32 $0x30, s18;
	s26 =	sor.u32 $0x180, s15;
	v21 =	vor.u32 v3, v9;
	v14 =	vld.idx.msk [tilespmem:v11+s22+$0x0], $0xffff;
	[tilespmem:s2+$0x80] =	vst v16  }
0x171: {  	s17 =	sadd.s32 $0x10, s18;
	s25 =	sadd.s32 $0x20, s18;
	s24 =	sor.u32 $0x100, s30;
	v4 =	vor.u32 $0x180, v4;
	[tilespmem:s26+$0xD080] =	vst v19;
	v15 =	vld.idx.msk [tilespmem:v15+s22+$0x0], $0xffff  }
0x172: {  	s28 =	sor.u32 $0x100, s18;
	s3 =	sor.u32 $0x180, s18;
	s12 =	sor.u32 $0x100, s5;
	v5 =	vor.u32 $0x180, v5;
	v10 =	vor.u32 $0x80, v13;
	v2 =	vor.u32 $0x180, v6;
	v18 =	vld.idx.msk [tilespmem:v1+s22+$0x0], $0xffff;
	[tilespmem:s24+$0xD080] =	vst v8  }
0x173: {  	s7 =	sor.u32 $0x100, s17;
	s5 =	sor.u32 $0x180, s17;
	s17 =	simm.s32 $0xC0;
	v6 =	vor.u32 $0x100, v13;
	[tilespmem:s12+$0xD080] =	vst v22;
	v3 =	vor.u32 $0x180, v13;
	v11 =	vor.u32 $0x80, v24;
	v17 =	vld.idx.msk [tilespmem:v7+s22+$0x0], $0xffff  }
0x174: {  	s15 =	simm.s32 $0x8;
	s26 =	sor.u32 $0x100, s25;
	s8 =	simm.s32 $0x200;
	v12 =	vor.u32 $0x180, v24;
	v13 =	vor.u32 $0x80, v21;
	[tilespmem:s0+$0xD080] =	vst v20;
	v20 =	vor.u32 $0x80, v1;
	v16 =	vld.idx.msk [tilespmem:v24+s22+$0x0], $0xffff  }
0x175: {  	s29 =	sand.u32 $0x1E00, s8;
	v9 =	vor.u32 $0x180, v21;
	s24 =	sor.u32 $0x180, s25;
	v8 =	vor.u32 $0x100, v21;
	[tilespmem:s1+$0x0] =	vst v23;
	s0 =	simm.s32 $0x80;
	v7 =	vor.u32 $0x100, v24;
	v19 =	vld.idx.msk [tilespmem:v21+s22+$0x0], $0xffff  }
.LBB2_17:
0x176: {  	s2 =	sand.u32 $0x40, s17;
	s12 =	sand.u32 $0x780, s17;
	v21 =	vld [tilespmem:s0+$0x800];
	s0 =	sadd.s32 $0xD080, s29;
	[tilespmem:s7+$0xD080] =	vst v14  }
0x177: {  	s15 =	sadd.s32 $0x4, s15;
	s7 =	sor.u32 $0x800, s12;
	s12 =	sor.u32 s10, s0;
	v14 =	vld.idx.msk [tilespmem:v10+s22+$0x0], $0xffff;
	[tilespmem:s26+$0xD080] =	vst v15  }
0x178: {  	s18 =	sor.u32 $0x180, s30;
	s10 =	sor.u32 $0x30, s2;
	p3 =	slt.u32 s15, $0x7C;
	[tilespmem:s12+$0x0] =	vst v18;
	v15 =	vld.idx.msk [tilespmem:v5+s22+$0x0], $0xffff;
	v5 =	vmov v12  }
0x179: {  	s25 =	sor.u32 $0x10, s2;
	s26 =	sor.u32 $0x20, s2;
	s29 =	sor.u32 s10, s7;
	v12 =	vld.idx.msk [tilespmem:v20+s22+$0x0], $0xffff;
	[tilespmem:s18+$0xD080] =	vst v17  }
0x17a: {  	s30 =	sor.u32 s26, s7;
	s18 =	sor.u32 s25, s7;
	v17 =	vld [tilespmem:s29+$0x0];
	s29 =	sor.u32 s4, s0  }
0x17b: {  	s7 =	sor.u32 s14, s0;
	s4 =	smov.u32 s2;
	v18 =	vld [tilespmem:s18+$0x0];
	v10 =	vand.u32 $0x7F, v21;
	v20 =	vshll.u32 v21, $0x2;
	s18 =	sor.u32 s11, s0;
	v21 =	vor.u32 $0x100, v1  }
0x17c: {  	s14 =	smov.u32 s26;
	s2 =	smov.u32 s13;
	s11 =	smov.u32 s25;
	v22 =	vld [tilespmem:s30+$0x0];
	v20 =	vand.u32 $0xFFFFFE00, v20;
	[tilespmem:s18+$0x0] =	vst v16  }
0x17d: {  	s13 =	smov.u32 s3;
	v16 =	vor.u32 v10, v20;
	v11 =	vld.idx.msk [tilespmem:v11+s22+$0x0], $0xffff;
	[tilespmem:s7+$0x0] =	vst v19  }
0x17e: {  	v10 =	vor.u32 $0x80, v16;
	v19 =	vor.u32 $0x100, v16;
	v20 =	vor.u32 $0x180, v16;
	v13 =	vld.idx.msk [tilespmem:v13+s22+$0x0], $0xffff;
	[tilespmem:s1+$0x80] =	vst v14;
	s1 =	smov.u32 s29  }
0x17f: {  	p2 =	por !p2, !p2;
	s0 =	simm.s32 $0x1;
	v14 =	vshll.u32 v17, $0x2;
	[tilespmem:s12+$0x80] =	vst v12;
	v23 =	vld.idx.msk [tilespmem:v6+s22+$0x0], $0xffff;
	v6 =	vmov v19  }
0x180: {  	s0 =	simm.s32 @!p2 $0x0;
	v17 =	vand.u32 $0x7F, v17;
	v12 =	vshll.u32 v18, $0x2;
	v14 =	vand.u32 $0xFFFFFE00, v14;
	v19 =	vld.idx.msk [tilespmem:v21+s22+$0x0], $0xffff;
	[tilespmem:s5+$0xD080] =	vst v15  }
0x181: {  	s0 =	sshll.u32 s0, $0x6;
	v12 =	vand.u32 $0xFFFFFE00, v12;
	v15 =	vshll.u32 v22, $0x2;
	v17 =	vor.u32 v17, v14;
	v21 =	vld.idx.msk [tilespmem:v4+s22+$0x0], $0xffff;
	v4 =	vmovc v9  }
0x182: {  	s0 =	sadd.s32 s0, s8;
	v9 =	vand.u32 $0x7F, v18;
	v14 =	vand.u32 $0xFFFFFE00, v15;
	v24 =	vld.idx.msk [tilespmem:v16+s22+$0x0], $0xffff;
	v16 =	vor.u32 $0x180, v1;
	v1 =	vmovc v17  }
0x183: {  	s12 =	sadd.s32 $0x20, s0;
	v25 =	vor.u32 v9, v12;
	v9 =	vand.u32 $0x7F, v22;
	[tilespmem:s18+$0x80] =	vst v11;
	v22 =	vld.idx.msk [tilespmem:v2+s22+$0x0], $0xffff;
	v2 =	vmovc v3;
	v3 =	vmov v20  }
0x184: {  	s3 =	sadd.s32 $0x10, s0;
	s30 =	sadd.s32 $0x30, s0;
	s26 =	sor.u32 $0x100, s12;
	v11 =	vor.u32 $0x80, v25;
	v26 =	vor.u32 v9, v14;
	v14 =	vld.idx.msk [tilespmem:v7+s22+$0x0], $0xffff;
	v7 =	vor.u32 $0x100, v25;
	[tilespmem:s7+$0x80] =	vst v13  }
.Ltmp11:
0x185: {  	v12 =	vor.u32 $0x180, v25;
	s18 =	sor.u32 $0x100, s30;
	v13 =	vor.u32 $0x80, v26;
	s7 =	sor.u32 $0x100, s3;
	v15 =	vld.idx.msk [tilespmem:v8+s22+$0x0], $0xffff;
	v8 =	vor.u32 $0x100, v26;
	[tilespmem:s28+$0xD080] =	vst v23;
	(pc) =	sbr.rel @p3 .LBB2_17-.Ltmp11, $4  }
0x186: {  	s5 =	sor.u32 $0x180, s3;
	s12 =	sor.u32 $0x180, s12;
	v9 =	vor.u32 $0x180, v26;
	s28 =	sor.u32 $0x100, s0;
	v18 =	vld.idx.msk [tilespmem:v17+s22+$0x0], $0xffff;
	[tilespmem:s18+$0xD080] =	vst v19  }
0x187: {  	s3 =	sor.u32 $0x180, s0;
	v17 =	vld.idx.msk [tilespmem:v16+s22+$0x0], $0xffff;
	[tilespmem:s24+$0xD080] =	vst v21;
	s24 =	smov.u32 s12  }
0x188: {  	s8 =	sadd.s32 $0x100, s8;
	v20 =	vor.u32 $0x80, v1;
	v16 =	vld.idx.msk [tilespmem:v25+s22+$0x0], $0xffff;
	[tilespmem:s1+$0x0] =	vst v24  }
0x189: {  	s17 =	sadd.s32 $0x40, s17;
	s29 =	sand.u32 $0x1E00, s8;
	s0 =	sshra.s32 s8, $0x2;
	v19 =	vld.idx.msk [tilespmem:v26+s22+$0x0], $0xffff;
	[tilespmem:s2+$0xD080] =	vst v22  }
0x18a: {  	v21 =	vld [tilespmem:s0+$0x800];
	_ =	sdelay $0x4  }
0x18b: {  	v22 =	vshll.u32 v21, $0x2  }
0x18c: {  	v21 =	vand.u32 $0x7F, v21;
	v22 =	vand.u32 $0xFFFFFE00, v22  }
0x18d: {  	v21 =	vor.u32 v21, v22;
	_ =	sdelay $0x1  }
0x18e: {  	s25 =	sadd.s32 $0xD080, s29;
	[tilespmem:s7+$0xD080] =	vst v14  }
0x18f: {  	[tilespmem:s26+$0xD080] =	vst v15;
	v10 =	vld.idx.msk [tilespmem:v10+s22+$0x0], $0xffff;
	s2 =	sor.u32 s10, s25  }
0x190: {  	s30 =	sor.u32 $0x180, s30;
	v2 =	vld.idx.msk [tilespmem:v2+s22+$0x0], $0xffff;
	[tilespmem:s2+$0x0] =	vst v18  }
0x191: {  	s29 =	sor.u32 s14, s25;
	[tilespmem:s30+$0xD080] =	vst v17;
	v53 =	vld.idx.msk [tilespmem:v21+s22+$0x0], $0xffff  }
0x192: {  	s26 =	sor.u32 s11, s25;
	v18 =	vld.idx.msk [tilespmem:v20+s22+$0x0], $0xffff;
	[tilespmem:s29+$0x0] =	vst v19;
	v54 =	vor.u32 $0x80, v21  }
0x193: {  	v55 =	vor.u32 $0x100, v1;
	[tilespmem:s26+$0x0] =	vst v16;
	v13 =	vld.idx.msk [tilespmem:v13+s22+$0x0], $0xffff  }
0x194: {  	v11 =	vld.idx.msk [tilespmem:v11+s22+$0x0], $0xffff;
	[tilespmem:s1+$0x80] =	vst v10  }
0x195: {  	s0 =	sor.u32 s4, s25;
	v5 =	vld.idx.msk [tilespmem:v5+s22+$0x0], $0xffff;
	[tilespmem:s13+$0xD080] =	vst v2  }
0x196: {  	v6 =	vld.idx.msk [tilespmem:v6+s22+$0x0], $0xffff;
	[tilespmem:s0+$0x0] =	vst v53  }
0x197: {  	p2 =	por !p2, !p2;
	s1 =	simm.s32 $0x1;
	[tilespmem:s2+$0x80] =	vst v18;
	v56 =	vld.idx.msk [tilespmem:v54+s22+$0x0], $0xffff  }
0x198: {  	s1 =	simm.s32 @!p2 $0x0;
	v57 =	vor.u32 $0x100, v21;
	v58 =	vld.idx.msk [tilespmem:v55+s22+$0x0], $0xffff;
	[tilespmem:s29+$0x80] =	vst v13  }
0x199: {  	v1 =	vor.u32 $0x180, v1;
	s1 =	sshll.u32 s1, $0x6;
	[tilespmem:s26+$0x80] =	vst v11;
	v59 =	vld.idx.msk [tilespmem:v8+s22+$0x0], $0xffff  }
0x19a: {  	[tilespmem:s5+$0xD080] =	vst v5;
	s1 =	sadd.s32 s1, s8;
	v7 =	vld.idx.msk [tilespmem:v7+s22+$0x0], $0xffff  }
0x19b: {  	v4 =	vld.idx.msk [tilespmem:v4+s22+$0x0], $0xffff;
	s10 =	sadd.s32 $0x30, s1;
	[tilespmem:s28+$0xD080] =	vst v6  }
0x19c: {  	s14 =	sadd.s32 $0x20, s1;
	s12 =	sor.u32 $0x100, s10;
	v3 =	vld.idx.msk [tilespmem:v3+s22+$0x0], $0xffff;
	[tilespmem:s0+$0x80] =	vst v56  }
0x19d: {  	s11 =	sadd.s32 $0x10, s1;
	s17 =	sor.u32 $0x100, s14;
	[tilespmem:s12+$0xD080] =	vst v58;
	v60 =	vld.idx.msk [tilespmem:v57+s22+$0x0], $0xffff  }
0x19e: {  	v61 =	vor.u32 $0x180, v21;
	s15 =	sor.u32 $0x100, s11;
	v1 =	vld.idx.msk [tilespmem:v1+s22+$0x0], $0xffff;
	[tilespmem:s17+$0xD080] =	vst v59  }
0x19f: {  	[tilespmem:s15+$0xD080] =	vst v7;
	v63 =	vld.idx.msk [tilespmem:v9+s22+$0x0], $0xffff  }
0x1a0: {  	[tilespmem:s24+$0xD080] =	vst v4;
	v62 =	vld.idx.msk [tilespmem:v12+s22+$0x0], $0xffff  }
0x1a1: {  	s18 =	sor.u32 $0x100, s1;
	[tilespmem:s3+$0xD080] =	vst v3  }
0x1a2: {  	s2 =	sor.u32 $0x180, s10;
	[tilespmem:s18+$0xD080] =	vst v60  }
0x1a3: {  	s25 =	sor.u32 $0x180, s14;
	[tilespmem:s2+$0xD080] =	vst v1;
	v2 =	vld.idx.msk [tilespmem:v61+s22+$0x0], $0xffff  }
0x1a4: {  	[tilespmem:s25+$0xD080] =	vst v63;
	s0 =	sor.u32 $0x180, s11  }
.Ltmp12:
0x1a5: {  	[tilespmem:s0+$0xD080] =	vst v62;
	(pc) =	sbr.rel @p1 .LBB2_20-.Ltmp12, $4  }
0x1a6: {  	s28 =	rddreg [dreg:$0x11]  }
0x1a7: {  	s26 =	sor.u32 $0x180, s1;
	s29 =	rddreg [dreg:$0x3];
	s4 =	sadd.s32 s28, s9  }
0x1a8: {  	s30 =	simm.s32 $0xD080;
	s0 =	sadd.s32 s29, s4;
	[tilespmem:s26+$0xD080] =	vst v2  }
0x1a9: {  	[hbm4b:s0+s31] =	stream.strided.scatter [tilespmem:s30], [sflag:$0x7], $0x2000, s19, s31, $0x38;
	[tilespmem:$0x11080] =	vst v63  }
.Ltmp13:
0x1aa: {  	(pc) =	sbr.rel .LBB2_21-.Ltmp13, $4  }
0x1ab: {  	s0 =	simm.s32 $0x4  }
0x1ac: {  	_ =	swait.ge [sflag:s0], $0x2000  }
0x1ad: {  	[sflag:s0] =	ssyncset.done $0x0  }
0x1ae: {  	[sflag:s0] =	ssyncadd.s32 $0xFFFFE000  }
.LBB2_20:
0x1af: {  	s0 =	rddreg [dreg:$0xe]  }
0x1b0: {  	s0 =	sadd.s32 s9, s0  }
0x1b1: {  	[tilespmem:s22], [sflag:$0x3] =	stream.strided.gather [hbm4b:s0+s31], $0x2000, s19, s31, $0x38;
	[tilespmem:$0x11080] =	vst v63  }
.Ltmp14:
0x1b2: {  	_ = 	snop;
	(pc) =	sbr.rel @p0 .LBB2_22-.Ltmp14, $4  }
0x1b3: {  	s31 =	simm.s32 $0x4  }
0x1b4: {  	_ =	swait.ge [sflag:s31], $0x2000  }
0x1b5: {  	[sflag:s31] =	ssyncset.done $0x0  }
0x1b6: {  	[sflag:s31] =	ssyncadd.s32 $0xFFFFE000  }
.LBB2_21:
0x1b7: {  	s0 =	simm.s32 $0x8  }
0x1b8: {  	_ =	swait.ge [sflag:s0], $0x2000  }
0x1b9: {  	[sflag:s0] =	ssyncset.done $0x0  }
0x1ba: {  	[sflag:s0] =	ssyncadd.s32 $0xFFFFE000  }
.LBB2_22:
0x1bb: {  	s0 =	simm.s32 $0x0  }
0x1bc: {  	s3 =	sand.u32 $0x40, s0;
	s1 =	sand.u32 $0x780, s0  }
0x1bd: {  	s1 =	sor.u32 $0x800, s1;
	s2 =	sor.u32 $0x30, s3  }
0x1be: {  	s5 =	sor.u32 s2, s1  }
0x1bf: {  	s15 =	sor.u32 $0x10, s3;
	v1 =	vld [tilespmem:s5+$0x0]  }
0x1c0: {  	s12 =	sor.u32 $0x20, s3;
	s7 =	sor.u32 s15, s1  }
0x1c1: {  	s1 =	sor.u32 s12, s1;
	v2 =	vld [tilespmem:s7+$0x0]  }
0x1c2: {  	v3 =	vld [tilespmem:s1+$0x0];
	_ =	sdelay $0x1  }
0x1c3: {  	v4 =	vshll.u32 v1, $0x2  }
0x1c4: {  	v1 =	vand.u32 $0x7F, v1;
	v4 =	vand.u32 $0xFFFFFE00, v4  }
0x1c5: {  	v1 =	vor.u32 v1, v4;
	v4 =	vshll.u32 v2, $0x2  }
0x1c6: {  	v5 =	vshll.u32 v3, $0x2;
	v2 =	vand.u32 $0x7F, v2;
	v4 =	vand.u32 $0xFFFFFE00, v4  }
0x1c7: {  	v3 =	vand.u32 $0x7F, v3;
	v2 =	vor.u32 v2, v4;
	v4 =	vand.u32 $0xFFFFFE00, v5  }
0x1c8: {  	v3 =	vor.u32 v3, v4;
	_ =	sdelay $0x1  }
0x1c9: {  	s17 =	simm.s32 $0x0;
	s8 =	simm.s32 $0x40;
	v4 =	vld.idx.msk [tilespmem:v1+s23+$0x0], $0xffff  }
0x1ca: {  	s0 =	sand.u32 $0x1E00, s0;
	s18 =	sand.u32 $0x780, s8;
	v7 =	vld [tilespmem:s17+$0x800];
	s1 =	sand.u32 $0x40, s8;
	v5 =	vor.u32 $0x80, v1  }
0x1cb: {  	s11 =	sadd.s32 $0xF080, s0;
	s0 =	sor.u32 $0x800, s18;
	s10 =	sor.u32 $0x30, s1;
	v6 =	vld.idx.msk [tilespmem:v2+s23+$0x0], $0xffff  }
0x1cc: {  	s25 =	sor.u32 s10, s0;
	v8 =	vld.idx.msk [tilespmem:v3+s23+$0x0], $0xffff  }
0x1cd: {  	s24 =	sor.u32 s2, s11;
	v10 =	vld [tilespmem:s25+$0x0];
	v9 =	vor.u32 $0x80, v3  }
0x1ce: {  	s8 =	sor.u32 $0x10, s1;
	[tilespmem:s24+$0x0] =	vst v4  }
0x1cf: {  	s26 =	sor.u32 s15, s11;
	s2 =	sor.u32 $0x20, s1;
	s13 =	sor.u32 s8, s0;
	v12 =	vshll.u32 v7, $0x2;
	v4 =	vor.u32 $0x80, v2;
	v5 =	vld.idx.msk [tilespmem:v5+s23+$0x0], $0xffff  }
0x1d0: {  	s12 =	sor.u32 s12, s11;
	s0 =	sor.u32 s2, s0;
	v7 =	vand.u32 $0x7F, v7;
	v11 =	vld [tilespmem:s13+$0x0];
	v12 =	vand.u32 $0xFFFFFE00, v12;
	v13 =	vor.u32 $0x100, v1;
	[tilespmem:s26+$0x0] =	vst v6  }
0x1d1: {  	v14 =	vld [tilespmem:s0+$0x0];
	v6 =	vor.u32 v7, v12;
	[tilespmem:s12+$0x0] =	vst v8  }
0x1d2: {  	v12 =	vshll.u32 v10, $0x2;
	v9 =	vld.idx.msk [tilespmem:v9+s23+$0x0], $0xffff  }
0x1d3: {  	v10 =	vand.u32 $0x7F, v10;
	v8 =	vor.u32 $0x100, v3;
	v12 =	vand.u32 $0xFFFFFE00, v12  }
0x1d4: {  	p0 =	por $0x0, $0x0;
	s0 =	simm.s32 $0x1;
	v10 =	vor.u32 v10, v12;
	v4 =	vld.idx.msk [tilespmem:v4+s23+$0x0], $0xffff;
	[tilespmem:s24+$0x80] =	vst v5  }
0x1d5: {  	s0 =	simm.s32 @!p0 $0x0;
	v7 =	vor.u32 $0x100, v2;
	v13 =	vld.idx.msk [tilespmem:v13+s23+$0x0], $0xffff  }
0x1d6: {  	s0 =	sshll.u32 s0, $0x6;
	v1 =	vor.u32 $0x180, v1;
	v5 =	vshll.u32 v11, $0x2;
	v15 =	vld.idx.msk [tilespmem:v6+s23+$0x0], $0xffff  }
0x1d7: {  	s5 =	sadd.s32 $0x0, s0;
	v12 =	vshll.u32 v14, $0x2;
	v11 =	vand.u32 $0x7F, v11;
	v5 =	vand.u32 $0xFFFFFE00, v5;
	[tilespmem:s12+$0x80] =	vst v9  }
0x1d8: {  	s7 =	sadd.s32 $0x30, s5;
	v12 =	vand.u32 $0xFFFFFE00, v12;
	v5 =	vor.u32 v11, v5;
	v11 =	vand.u32 $0x7F, v14;
	v8 =	vld.idx.msk [tilespmem:v8+s23+$0x0], $0xffff  }
0x1d9: {  	s17 =	simm.s32 $0x40;
	s15 =	simm.s32 $0x100;
	s14 =	sor.u32 $0x100, s7;
	[tilespmem:s26+$0x80] =	vst v4;
	v4 =	vor.u32 v11, v12;
	v11 =	vld.idx.msk [tilespmem:v10+s23+$0x0], $0xffff  }
0x1da: {  	s18 =	simm.s32 $0x80;
	s0 =	sand.u32 $0x1E00, s15;
	v9 =	vor.u32 $0x80, v6;
	s12 =	sor.u32 s3, s11;
	v7 =	vld.idx.msk [tilespmem:v7+s23+$0x0], $0xffff;
	[tilespmem:s14+$0xF080] =	vst v13  }
0x1db: {  	s25 =	sand.u32 $0x780, s18;
	s24 =	sand.u32 $0x40, s18;
	s3 =	sadd.s32 $0xF080, s0;
	[tilespmem:s12+$0x0] =	vst v15;
	v15 =	vld [tilespmem:s17+$0x800]  }
0x1dc: {  	s0 =	sor.u32 $0x800, s25;
	s26 =	sor.u32 s10, s3;
	s10 =	sor.u32 $0x30, s24;
	v12 =	vld.idx.msk [tilespmem:v1+s23+$0x0], $0xffff  }
0x1dd: {  	s14 =	sor.u32 s10, s0;
	v1 =	vor.u32 $0x80, v10;
	v13 =	vld.idx.msk [tilespmem:v5+s23+$0x0], $0xffff  }
0x1de: {  	v2 =	vor.u32 $0x180, v2;
	v17 =	vld [tilespmem:s14+$0x0]  }
0x1df: {  	s15 =	sadd.s32 $0x10, s5;
	s11 =	sor.u32 $0x10, s24;
	v9 =	vld.idx.msk [tilespmem:v9+s23+$0x0], $0xffff  }
0x1e0: {  	s18 =	sor.u32 s11, s0;
	s17 =	sor.u32 $0x100, s15;
	v14 =	vld.idx.msk [tilespmem:v4+s23+$0x0], $0xffff;
	[tilespmem:s26+$0x0] =	vst v11;
	v11 =	vor.u32 $0x80, v5  }
0x1e1: {  	v16 =	vor.u32 $0x80, v4;
	[tilespmem:s17+$0xF080] =	vst v7;
	v7 =	vld [tilespmem:s18+$0x0]  }
0x1e2: {  	v18 =	vor.u32 $0x100, v6;
	s14 =	sor.u32 $0x20, s24;
	v1 =	vld.idx.msk [tilespmem:v1+s23+$0x0], $0xffff  }
0x1e3: {  	v20 =	vor.u32 $0x100, v10;
	s8 =	sor.u32 s8, s3;
	s0 =	sor.u32 s14, s0;
	v19 =	vld.idx.msk [tilespmem:v2+s23+$0x0], $0xffff;
	v2 =	vshll.u32 v15, $0x2  }
0x1e4: {  	v3 =	vor.u32 $0x180, v3;
	s2 =	sor.u32 s2, s3;
	v21 =	vld [tilespmem:s0+$0x0];
	v15 =	vand.u32 $0x7F, v15;
	v2 =	vand.u32 $0xFFFFFE00, v2;
	[tilespmem:s8+$0x0] =	vst v13  }
0x1e5: {  	v13 =	vor.u32 v15, v2;
	v2 =	vld.idx.msk [tilespmem:v11+s23+$0x0], $0xffff;
	[tilespmem:s2+$0x0] =	vst v14  }
0x1e6: {  	s17 =	sadd.s32 $0x20, s5;
	v15 =	vor.u32 $0x100, v4;
	[tilespmem:s12+$0x80] =	vst v9;
	v9 =	vshll.u32 v17, $0x2;
	v11 =	vor.u32 $0x100, v5;
	v16 =	vld.idx.msk [tilespmem:v16+s23+$0x0], $0xffff  }
0x1e7: {  	s13 =	simm.s32 $0x1;
	p0 =	por !p0, !p0;
	s18 =	sor.u32 $0x100, s17;
	v22 =	vld.idx.msk [tilespmem:v18+s23+$0x0], $0xffff;
	v14 =	vand.u32 $0x7F, v17;
	v9 =	vand.u32 $0xFFFFFE00, v9;
	[tilespmem:s26+$0x80] =	vst v1;
	v1 =	vshll.u32 v7, $0x2  }
0x1e8: {  	s13 =	simm.s32 @!p0 $0x0;
	s7 =	sor.u32 $0x180, s7;
	[tilespmem:s18+$0xF080] =	vst v8;
	v8 =	vld.idx.msk [tilespmem:v20+s23+$0x0], $0xffff;
	v17 =	vand.u32 $0xFFFFFE00, v1;
	v1 =	vor.u32 v14, v9  }
0x1e9: {  	s25 =	sshll.u32 s13, $0x6;
	[tilespmem:s7+$0xF080] =	vst v12;
	v9 =	vshll.u32 v21, $0x2;
	v20 =	vld.idx.msk [tilespmem:v3+s23+$0x0], $0xffff;
	v3 =	vand.u32 $0x7F, v7;
	v7 =	vor.u32 $0x180, v10  }
0x1ea: {  	s13 =	sor.u32 $0x180, s5;
	s1 =	sor.u32 s1, s3;
	s18 =	sadd.s32 $0x100, s25;
	v23 =	vld.idx.msk [tilespmem:v13+s23+$0x0], $0xffff;
	v9 =	vand.u32 $0xFFFFFE00, v9;
	v24 =	vor.u32 v3, v17;
	v3 =	vand.u32 $0x7F, v21;
	[tilespmem:s8+$0x80] =	vst v2  }
0x1eb: {  	s0 =	sor.u32 $0x180, s17;
	s30 =	sadd.s32 $0x30, s18;
	s26 =	sor.u32 $0x180, s15;
	v21 =	vor.u32 v3, v9;
	v14 =	vld.idx.msk [tilespmem:v11+s23+$0x0], $0xffff;
	[tilespmem:s2+$0x80] =	vst v16  }
0x1ec: {  	s12 =	sor.u32 $0x100, s5;
	v4 =	vor.u32 $0x180, v4;
	s25 =	sadd.s32 $0x20, s18;
	s17 =	sor.u32 $0x100, s30;
	[tilespmem:s26+$0xF080] =	vst v19;
	v15 =	vld.idx.msk [tilespmem:v15+s23+$0x0], $0xffff  }
0x1ed: {  	s31 =	sor.u32 $0x100, s18;
	s3 =	sor.u32 $0x180, s18;
	v5 =	vor.u32 $0x180, v5;
	s28 =	sor.u32 $0x180, s25;
	v10 =	vor.u32 $0x80, v13;
	v2 =	vor.u32 $0x180, v6;
	v18 =	vld.idx.msk [tilespmem:v1+s23+$0x0], $0xffff;
	[tilespmem:s17+$0xF080] =	vst v8  }
0x1ee: {  	s15 =	simm.s32 $0x8;
	s26 =	sor.u32 $0x100, s25;
	s8 =	sadd.s32 $0x10, s18;
	v6 =	vor.u32 $0x100, v13;
	[tilespmem:s12+$0xF080] =	vst v22;
	v3 =	vor.u32 $0x180, v13;
	v11 =	vor.u32 $0x80, v24;
	v17 =	vld.idx.msk [tilespmem:v7+s23+$0x0], $0xffff  }
0x1ef: {  	s7 =	sor.u32 $0x100, s8;
	s5 =	sor.u32 $0x180, s8;
	v12 =	vor.u32 $0x180, v24;
	s8 =	simm.s32 $0x200;
	v13 =	vor.u32 $0x80, v21;
	[tilespmem:s0+$0xF080] =	vst v20;
	v20 =	vor.u32 $0x80, v1;
	v16 =	vld.idx.msk [tilespmem:v24+s23+$0x0], $0xffff  }
0x1f0: {  	v9 =	vor.u32 $0x180, v21;
	s29 =	sand.u32 $0x1E00, s8;
	v8 =	vor.u32 $0x100, v21;
	[tilespmem:s1+$0x0] =	vst v23;
	s0 =	simm.s32 $0x80;
	s17 =	simm.s32 $0xC0;
	v7 =	vor.u32 $0x100, v24;
	v19 =	vld.idx.msk [tilespmem:v21+s23+$0x0], $0xffff  }
.LBB2_23:
0x1f1: {  	s2 =	sand.u32 $0x40, s17;
	s12 =	sand.u32 $0x780, s17;
	v21 =	vld [tilespmem:s0+$0x800];
	s0 =	sadd.s32 $0xF080, s29;
	[tilespmem:s7+$0xF080] =	vst v14  }
0x1f2: {  	s15 =	sadd.s32 $0x4, s15;
	s7 =	sor.u32 $0x800, s12;
	s12 =	sor.u32 s10, s0;
	v14 =	vld.idx.msk [tilespmem:v10+s23+$0x0], $0xffff;
	[tilespmem:s26+$0xF080] =	vst v15  }
0x1f3: {  	s18 =	sor.u32 $0x180, s30;
	s10 =	sor.u32 $0x30, s2;
	p1 =	slt.u32 s15, $0x7C;
	[tilespmem:s12+$0x0] =	vst v18;
	v15 =	vld.idx.msk [tilespmem:v5+s23+$0x0], $0xffff;
	v5 =	vmov v12  }
0x1f4: {  	s25 =	sor.u32 $0x10, s2;
	s26 =	sor.u32 $0x20, s2;
	s29 =	sor.u32 s10, s7;
	v12 =	vld.idx.msk [tilespmem:v20+s23+$0x0], $0xffff;
	[tilespmem:s18+$0xF080] =	vst v17  }
0x1f5: {  	s30 =	sor.u32 s26, s7;
	s18 =	sor.u32 s25, s7;
	v17 =	vld [tilespmem:s29+$0x0];
	s29 =	sor.u32 s24, s0  }
0x1f6: {  	s7 =	sor.u32 s14, s0;
	s24 =	smov.u32 s2;
	v18 =	vld [tilespmem:s18+$0x0];
	v10 =	vand.u32 $0x7F, v21;
	v20 =	vshll.u32 v21, $0x2;
	s18 =	sor.u32 s11, s0;
	v21 =	vor.u32 $0x100, v1  }
0x1f7: {  	s14 =	smov.u32 s26;
	s2 =	smov.u32 s13;
	s11 =	smov.u32 s25;
	v22 =	vld [tilespmem:s30+$0x0];
	v20 =	vand.u32 $0xFFFFFE00, v20;
	[tilespmem:s18+$0x0] =	vst v16  }
0x1f8: {  	s13 =	smov.u32 s3;
	v16 =	vor.u32 v10, v20;
	v11 =	vld.idx.msk [tilespmem:v11+s23+$0x0], $0xffff;
	[tilespmem:s7+$0x0] =	vst v19  }
0x1f9: {  	v10 =	vor.u32 $0x80, v16;
	v19 =	vor.u32 $0x100, v16;
	v20 =	vor.u32 $0x180, v16;
	v13 =	vld.idx.msk [tilespmem:v13+s23+$0x0], $0xffff;
	[tilespmem:s1+$0x80] =	vst v14;
	s1 =	smov.u32 s29  }
0x1fa: {  	p0 =	por !p0, !p0;
	s0 =	simm.s32 $0x1;
	v14 =	vshll.u32 v17, $0x2;
	[tilespmem:s12+$0x80] =	vst v12;
	v23 =	vld.idx.msk [tilespmem:v6+s23+$0x0], $0xffff;
	v6 =	vmov v19  }
0x1fb: {  	s0 =	simm.s32 @!p0 $0x0;
	v17 =	vand.u32 $0x7F, v17;
	v12 =	vshll.u32 v18, $0x2;
	v14 =	vand.u32 $0xFFFFFE00, v14;
	v19 =	vld.idx.msk [tilespmem:v21+s23+$0x0], $0xffff;
	[tilespmem:s5+$0xF080] =	vst v15  }
0x1fc: {  	s0 =	sshll.u32 s0, $0x6;
	v12 =	vand.u32 $0xFFFFFE00, v12;
	v15 =	vshll.u32 v22, $0x2;
	v17 =	vor.u32 v17, v14;
	v21 =	vld.idx.msk [tilespmem:v4+s23+$0x0], $0xffff;
	v4 =	vmovc v9  }
0x1fd: {  	s0 =	sadd.s32 s0, s8;
	v9 =	vand.u32 $0x7F, v18;
	v14 =	vand.u32 $0xFFFFFE00, v15;
	v24 =	vld.idx.msk [tilespmem:v16+s23+$0x0], $0xffff;
	v16 =	vor.u32 $0x180, v1;
	v1 =	vmovc v17  }
0x1fe: {  	s12 =	sadd.s32 $0x20, s0;
	v25 =	vor.u32 v9, v12;
	v9 =	vand.u32 $0x7F, v22;
	[tilespmem:s18+$0x80] =	vst v11;
	v22 =	vld.idx.msk [tilespmem:v2+s23+$0x0], $0xffff;
	v2 =	vmovc v3;
	v3 =	vmov v20  }
0x1ff: {  	s3 =	sadd.s32 $0x10, s0;
	s30 =	sadd.s32 $0x30, s0;
	s26 =	sor.u32 $0x100, s12;
	v11 =	vor.u32 $0x80, v25;
	v26 =	vor.u32 v9, v14;
	v14 =	vld.idx.msk [tilespmem:v7+s23+$0x0], $0xffff;
	v7 =	vor.u32 $0x100, v25;
	[tilespmem:s7+$0x80] =	vst v13  }
.Ltmp15:
0x200: {  	v12 =	vor.u32 $0x180, v25;
	s18 =	sor.u32 $0x100, s30;
	v13 =	vor.u32 $0x80, v26;
	s7 =	sor.u32 $0x100, s3;
	v15 =	vld.idx.msk [tilespmem:v8+s23+$0x0], $0xffff;
	v8 =	vor.u32 $0x100, v26;
	[tilespmem:s31+$0xF080] =	vst v23;
	(pc) =	sbr.rel @p1 .LBB2_23-.Ltmp15, $4  }
0x201: {  	s5 =	sor.u32 $0x180, s3;
	s12 =	sor.u32 $0x180, s12;
	v9 =	vor.u32 $0x180, v26;
	s31 =	sor.u32 $0x100, s0;
	v18 =	vld.idx.msk [tilespmem:v17+s23+$0x0], $0xffff;
	[tilespmem:s18+$0xF080] =	vst v19  }
0x202: {  	s3 =	sor.u32 $0x180, s0;
	v17 =	vld.idx.msk [tilespmem:v16+s23+$0x0], $0xffff;
	[tilespmem:s28+$0xF080] =	vst v21;
	s28 =	smov.u32 s12  }
0x203: {  	s8 =	sadd.s32 $0x100, s8;
	v20 =	vor.u32 $0x80, v1;
	v16 =	vld.idx.msk [tilespmem:v25+s23+$0x0], $0xffff;
	[tilespmem:s1+$0x0] =	vst v24  }
0x204: {  	s17 =	sadd.s32 $0x40, s17;
	s29 =	sand.u32 $0x1E00, s8;
	s0 =	sshra.s32 s8, $0x2;
	v19 =	vld.idx.msk [tilespmem:v26+s23+$0x0], $0xffff;
	[tilespmem:s2+$0xF080] =	vst v22  }
0x205: {  	v21 =	vld [tilespmem:s0+$0x800];
	_ =	sdelay $0x4  }
0x206: {  	v22 =	vshll.u32 v21, $0x2  }
0x207: {  	v21 =	vand.u32 $0x7F, v21;
	v22 =	vand.u32 $0xFFFFFE00, v22  }
0x208: {  	v21 =	vor.u32 v21, v22;
	_ =	sdelay $0x3  }
0x209: {  	s25 =	sadd.s32 $0xF080, s29;
	[tilespmem:s7+$0xF080] =	vst v14  }
0x20a: {  	[tilespmem:s26+$0xF080] =	vst v15;
	s2 =	sor.u32 s10, s25;
	v53 =	vld.idx.msk [tilespmem:v21+s23+$0x0], $0xffff  }
0x20b: {  	v10 =	vld.idx.msk [tilespmem:v10+s23+$0x0], $0xffff;
	s12 =	sor.u32 $0x180, s30;
	[tilespmem:s2+$0x0] =	vst v18;
	v54 =	vor.u32 $0x80, v21  }
0x20c: {  	v2 =	vld.idx.msk [tilespmem:v2+s23+$0x0], $0xffff;
	s29 =	sor.u32 s14, s25;
	[tilespmem:s12+$0xF080] =	vst v17  }
0x20d: {  	s26 =	sor.u32 s11, s25;
	v18 =	vld.idx.msk [tilespmem:v20+s23+$0x0], $0xffff;
	[tilespmem:s29+$0x0] =	vst v19  }
0x20e: {  	v55 =	vor.u32 $0x100, v1;
	s0 =	sor.u32 s24, s25;
	[tilespmem:s26+$0x0] =	vst v16;
	v13 =	vld.idx.msk [tilespmem:v13+s23+$0x0], $0xffff  }
0x20f: {  	v11 =	vld.idx.msk [tilespmem:v11+s23+$0x0], $0xffff;
	[tilespmem:s0+$0x0] =	vst v53  }
0x210: {  	[tilespmem:s1+$0x80] =	vst v10;
	v56 =	vld.idx.msk [tilespmem:v54+s23+$0x0], $0xffff  }
0x211: {  	v5 =	vld.idx.msk [tilespmem:v5+s23+$0x0], $0xffff;
	[tilespmem:s13+$0xF080] =	vst v2;
	v57 =	vor.u32 $0x100, v21  }
0x212: {  	p0 =	por !p0, !p0;
	s1 =	simm.s32 $0x1;
	v6 =	vld.idx.msk [tilespmem:v6+s23+$0x0], $0xffff;
	[tilespmem:s2+$0x80] =	vst v18  }
0x213: {  	s1 =	simm.s32 @!p0 $0x0;
	v58 =	vld.idx.msk [tilespmem:v55+s23+$0x0], $0xffff;
	[tilespmem:s29+$0x80] =	vst v13  }
0x214: {  	v1 =	vor.u32 $0x180, v1;
	s1 =	sshll.u32 s1, $0x6;
	[tilespmem:s26+$0x80] =	vst v11;
	v59 =	vld.idx.msk [tilespmem:v8+s23+$0x0], $0xffff  }
0x215: {  	s1 =	sadd.s32 s1, s8;
	v7 =	vld.idx.msk [tilespmem:v7+s23+$0x0], $0xffff;
	[tilespmem:s0+$0x80] =	vst v56  }
0x216: {  	[tilespmem:s5+$0xF080] =	vst v5;
	s14 =	sadd.s32 $0x30, s1;
	v60 =	vld.idx.msk [tilespmem:v57+s23+$0x0], $0xffff  }
0x217: {  	v4 =	vld.idx.msk [tilespmem:v4+s23+$0x0], $0xffff;
	v61 =	vor.u32 $0x180, v21;
	s18 =	sadd.s32 $0x20, s1;
	s17 =	sor.u32 $0x100, s14;
	[tilespmem:s31+$0xF080] =	vst v6  }
0x218: {  	s15 =	sadd.s32 $0x10, s1;
	s25 =	sor.u32 $0x100, s18;
	v3 =	vld.idx.msk [tilespmem:v3+s23+$0x0], $0xffff;
	[tilespmem:s17+$0xF080] =	vst v58  }
0x219: {  	s24 =	sor.u32 $0x100, s15;
	v1 =	vld.idx.msk [tilespmem:v1+s23+$0x0], $0xffff;
	[tilespmem:s25+$0xF080] =	vst v59  }
0x21a: {  	s26 =	sor.u32 $0x100, s1;
	[tilespmem:s24+$0xF080] =	vst v7;
	v63 =	vld.idx.msk [tilespmem:v9+s23+$0x0], $0xffff  }
0x21b: {  	v62 =	vld.idx.msk [tilespmem:v12+s23+$0x0], $0xffff;
	[tilespmem:s26+$0xF080] =	vst v60  }
0x21c: {  	[tilespmem:s28+$0xF080] =	vst v4;
	v2 =	vld.idx.msk [tilespmem:v61+s23+$0x0], $0xffff  }
0x21d: {  	s2 =	sor.u32 $0x180, s14;
	[tilespmem:s3+$0xF080] =	vst v3  }
0x21e: {  	s29 =	sor.u32 $0x180, s18;
	[tilespmem:s2+$0xF080] =	vst v1  }
0x21f: {  	p0 =	seq.s32 s6, $0x3F;
	[tilespmem:s29+$0xF080] =	vst v63;
	s0 =	sor.u32 $0x180, s15  }
.Ltmp16:
0x220: {  	s30 =	sor.u32 $0x180, s1;
	[tilespmem:s0+$0xF080] =	vst v62;
	(pc) =	sbr.rel @p0 .LBB2_26-.Ltmp16, $4  }
0x221: {  	[tilespmem:s30+$0xF080] =	vst v2  }
0x222: {  	s0 =	rddreg [dreg:$0xc]  }
0x223: {  	s1 =	simm.s32 $0x200;
	s31 =	simm.s32 $0xF080;
	s0 =	sadd.s32 s4, s0  }
0x224: {  	[hbm4b:s0+s1] =	stream.strided.scatter [tilespmem:s31], [sflag:$0x8], $0x2000, s19, s1, $0x38;
	[tilespmem:$0x11080] =	vst v63  }
.Ltmp17:
0x225: {  	(pc) =	sbr.rel .LBB2_4-.Ltmp17, $4  }
0x226: {  	_ = 	snop  }
0x227: {  	s0 =	rddreg [dreg:$0xf]  }
0x228: {  	s6 =	sadd.s32 $0x1, s6;
	s0 =	sadd.s32 s9, s0  }
0x229: {  	[tilespmem:s23], [sflag:$0x4] =	stream.strided.gather [hbm4b:s0+s1], $0x2000, s19, s1, $0x38;
	[tilespmem:$0x11080] =	vst v63  }
.LBB2_27:
0x22a: {  	_ =	sfence.sel $0x180000  }
0x22b: {  	[bflag:$0x0] =	sbarrier.arrive $0xFFFF  }
0x22c: {  	_ =	strace $0x90000047  }
0x22d: {  	s0 =	stileid.u32;
	[bflag:$0x2] =	sbarrier.arrive $0xFFFF  }
0x22e: {  	p0 =	sne.s32 s0, $0x0;
	s0 =	rddreg [dreg:$0x4]  }
0x22f: {  	s0 =	sadd.s32 @!p0 $0x100000, s0  }
0x230: {  	[sflag:s0] =	ssyncadd.tile.s32 @!p0 $0x1;
	_ =	shalt  }
.Lfunc_end2:
_tile_overlayer_lowered:
.L_overlay_start_2:
0x231: {  	(tag) =	ssettag $0x2  }
0x232: {  	s0 =	rddreg [dreg:$0x0];
	s2 =	stileid.u32  }
0x233: {  	s1 =	rddreg [dreg:$0x1];
	p0 =	sne.s32 s2, $0x0  }
0x234: {  	s3 =	rddreg [dreg:$0x2];
	[bflag:$0x3] =	sbarrier.arrive $0xFFFF;
	s2 =	simm.s32 @!p0 $0x1C09  }
0x235: {  	[timem:s3], [sflag:s2] =	dma.local @!p0 [hbm:s0], s1  }
0x236: {  	s0 =	simm.s32 @!p0 $0x9  }
0x237: {  	_ =	swait.ge @!p0 [sflag:s0], s1  }
0x238: {  	s1 =	ssub.s32 @!p0 $0x0, s1;
	[sflag:s0] =	ssyncset.done @!p0 $0x0  }
0x239: {  	[sflag:s0] =	ssyncadd.s32 @!p0 s1  }
0x23a: {  	[bflag:$0x3] =	sbarrier.arrive $0xFFFF  }
0x23b: {  	_ =	shalt  }

</sc_bundles>
